<compile_context>
chip_gen: v7x
topology: tpu7x:2x2x1
jax: 0.10.2.dev20260603
libtpu: 0.0.44.dev20260713+nightly
codegen_flags: <defaults>
</compile_context>

<pallas_src>
import jax
import jax.numpy as jnp
from jax.experimental import pallas as pl
from jax.experimental.pallas import tpu as pltpu

EPS = 1e-7
K = 2048


def _matmul_kernel(x_ref, w_ref, o_ref):
    o_ref[...] = jnp.dot(x_ref[...], w_ref[...],
                         preferred_element_type=jnp.float32)


def _matmul(x, w, blk):
    n = x.shape[0]
    return pl.pallas_call(
        _matmul_kernel,
        grid=(n // blk,),
        in_specs=[pl.BlockSpec((blk, x.shape[1]), lambda i: (i, 0)),
                  pl.BlockSpec(w.shape, lambda i: (0, 0))],
        out_specs=pl.BlockSpec((blk, w.shape[1]), lambda i: (i, 0)),
        out_shape=jax.ShapeDtypeStruct((n, w.shape[1]), jnp.float32),
    )(x, w)


def _segred_kernel(T, eb_ref, ot_ref, fv_ref, vd_ref,
                   seg_ref, scl_ref, val_ref, out_ref):
    p = pl.program_id(0)
    ot = ot_ref[p]

    @pl.when(fv_ref[p] == 1)
    def _():
        out_ref[...] = jnp.zeros_like(out_ref)

    @pl.when(vd_ref[p] == 1)
    def _():
        seg = seg_ref[0, 0, :]
        scl = scl_ref[0, 0, :]
        local = seg - ot * T
        oh = (local[:, None] ==
              jax.lax.broadcasted_iota(jnp.int32, (K, T), 1)
              ).astype(jnp.float32)
        scaled = val_ref[...] * scl[:, None]
        out_ref[:, :64] += jax.lax.dot_general(
            oh, scaled, (((0,), (0,)), ((), ())),
            preferred_element_type=jnp.float32)
        out_ref[:, 64:65] += jax.lax.dot_general(
            oh, scl[:, None], (((0,), (0,)), ((), ())),
            preferred_element_type=jnp.float32)


def _segment_reduce(seg_sorted, scale, values, n_out_pad, T):
    e_pad = seg_sorted.shape[0]
    nb = e_pad // K
    nt = n_out_pad // T
    segs = seg_sorted.reshape(nb, K)
    f = segs[:, 0] // T
    l = segs[:, -1] // T
    f = jnp.concatenate([jnp.zeros((1,), jnp.int32),
                         jnp.minimum(f[1:], l[:-1] + 1)])
    l = l.at[-1].set(nt - 1)
    spans = l - f + 1
    offs = jnp.concatenate([jnp.zeros((1,), jnp.int32),
                            jnp.cumsum(spans)])
    P = nb + nt
    parr = jnp.arange(P, dtype=jnp.int32)
    b = jnp.clip(jnp.searchsorted(offs, parr, side='right') - 1, 0, nb - 1)
    ot = jnp.clip(f[b] + (parr - offs[b]), 0, nt - 1)
    valid = (parr < offs[-1]).astype(jnp.int32)
    fv = jnp.concatenate([jnp.ones((1,), jnp.int32),
                          (ot[1:] != ot[:-1]).astype(jnp.int32)])
    eb = b

    import functools
    grid_spec = pltpu.PrefetchScalarGridSpec(
        num_scalar_prefetch=4,
        grid=(P,),
        in_specs=[
            pl.BlockSpec((1, 1, K), lambda p, eb, ot, fv, vd: (eb[p], 0, 0)),
            pl.BlockSpec((1, 1, K), lambda p, eb, ot, fv, vd: (eb[p], 0, 0)),
            pl.BlockSpec((K, 64), lambda p, eb, ot, fv, vd: (eb[p], 0)),
        ],
        out_specs=pl.BlockSpec((T, 128), lambda p, eb, ot, fv, vd: (ot[p], 0)),
    )
    return pl.pallas_call(
        functools.partial(_segred_kernel, T),
        grid_spec=grid_spec,
        out_shape=jax.ShapeDtypeStruct((n_out_pad, 128), jnp.float32),
    )(eb, ot, fv, valid,
      seg_sorted.reshape(nb, 1, K), scale.reshape(nb, 1, K),
      values)


def _combine_kernel(h_ref, ad_ref, o_ref):
    agg = ad_ref[:, :64]
    deg = ad_ref[:, 64:65]
    o_ref[...] = jax.nn.relu(h_ref[...] + agg / (deg + EPS))


def _divide_kernel(sc_ref, o_ref):
    s = sc_ref[:, :64]
    c = sc_ref[:, 64:65]
    o_ref[...] = s / jnp.maximum(c, 1.0)


def _region_kernel(rs_ref, rsrc_ref, rdst_ref, w_ref, area_ref, perm_ref,
                   pos_ref, neg_ref, city_ref):
    r0 = rs_ref[:, :64] / jnp.maximum(rs_ref[:, 64:65], 1.0)
    rsrc = rsrc_ref[0, :]
    rdst = rdst_ref[0, :]
    ncols = r0.shape[0]
    iota = jax.lax.broadcasted_iota(jnp.int32, (rsrc.shape[0], ncols), 1)
    oh_src = (rsrc[:, None] == iota).astype(jnp.float32)
    oh_dst = (rdst[:, None] == iota).astype(jnp.float32)
    gathered = jnp.dot(oh_src, r0, preferred_element_type=jnp.float32)
    nmsg = jax.lax.dot_general(oh_dst, gathered, (((0,), (0,)), ((), ())),
                               preferred_element_type=jnp.float32)
    ndeg = jnp.sum(oh_dst, axis=0)[:, None]
    pos = jnp.tanh(jnp.dot(r0 + nmsg / jnp.maximum(ndeg, 1.0), w_ref[...],
                           preferred_element_type=jnp.float32))
    pos_ref[...] = pos
    perm = perm_ref[0, :]
    iota2 = jax.lax.broadcasted_iota(jnp.int32, (ncols, ncols), 1)
    permoh = (perm[:, None] == iota2).astype(jnp.float32)
    neg_ref[...] = jnp.dot(permoh, pos, preferred_element_type=jnp.float32)
    area = area_ref[...]
    w = area / (jnp.sum(area) + EPS)
    city_ref[...] = jax.nn.sigmoid(
        jnp.dot(w, pos, preferred_element_type=jnp.float32))


def kernel(x, edge_weight, region_area, W_enc, W_region, edge_index,
           checkin_to_poi, poi_to_region, region_adjacency,
           num_pois, num_regions):
    n = x.shape[0]
    num_pois_static = poi_to_region.shape[0]
    num_regions_static = region_area.shape[0]
    src, dst = edge_index[0], edge_index[1]
    n_edges = src.shape[0]

    h = _matmul(x, W_enc, 2000)

    order = jnp.argsort(dst)
    e_pad = ((n_edges + K - 1) // K) * K
    n_pad = ((n + K - 1) // K) * K
    pad_e = e_pad - n_edges
    dst_s = jnp.concatenate([dst[order],
                             jnp.full((pad_e,), n_pad - 1, dst.dtype)])
    src_s = jnp.concatenate([src[order], jnp.zeros((pad_e,), src.dtype)])
    w_s = jnp.concatenate([edge_weight[order],
                           jnp.zeros((pad_e,), jnp.float32)])
    h_src = jnp.take(h, src_s, axis=0)
    aggdeg = _segment_reduce(dst_s, w_s, h_src, n_pad, 128)[:n]

    pos_checkin_emb = pl.pallas_call(
        _combine_kernel,
        grid=(n // 2000,),
        in_specs=[pl.BlockSpec((2000, 64), lambda i: (i, 0)),
                  pl.BlockSpec((2000, 128), lambda i: (i, 0))],
        out_specs=pl.BlockSpec((2000, 64), lambda i: (i, 0)),
        out_shape=jax.ShapeDtypeStruct((n, 64), jnp.float32),
    )(h, aggdeg)

    c_pad = ((n + K - 1) // K) * K
    p_out_pad = ((num_pois_static + 255) // 256) * 256
    padc = c_pad - n
    c2p = jnp.concatenate([checkin_to_poi,
                           jnp.full((padc,), p_out_pad - 1,
                                    checkin_to_poi.dtype)])
    ones_c = jnp.concatenate([jnp.ones((n,), jnp.float32),
                              jnp.zeros((padc,), jnp.float32)])
    vals_c = jnp.concatenate([pos_checkin_emb,
                              jnp.zeros((padc, 64), jnp.float32)])
    poi_sc = _segment_reduce(c2p, ones_c, vals_c, p_out_pad, 256)
    pos_poi_emb = pl.pallas_call(
        _divide_kernel,
        grid=(p_out_pad // 2048,),
        in_specs=[pl.BlockSpec((2048, 128), lambda i: (i, 0))],
        out_specs=pl.BlockSpec((2048, 64), lambda i: (i, 0)),
        out_shape=jax.ShapeDtypeStruct((p_out_pad, 64), jnp.float32),
    )(poi_sc)[:num_pois_static]

    p_pad = ((num_pois_static + K - 1) // K) * K
    padp = p_pad - num_pois_static
    p2r = jnp.concatenate([poi_to_region,
                           jnp.full((padp,), num_regions_static - 1,
                                    poi_to_region.dtype)])
    ones_p = jnp.concatenate([jnp.ones((num_pois_static,), jnp.float32),
                              jnp.zeros((padp,), jnp.float32)])
    vals_p = jnp.concatenate([pos_poi_emb,
                              jnp.zeros((padp, 64), jnp.float32)])
    reg_sc = _segment_reduce(p2r, ones_p, vals_p, num_regions_static,
                             num_regions_static)

    perm = jax.random.permutation(jax.random.key(1), num_regions_static)
    pos_region_emb, neg_region_emb, city2 = pl.pallas_call(
        _region_kernel,
        out_shape=[
            jax.ShapeDtypeStruct((num_regions_static, 64), jnp.float32),
            jax.ShapeDtypeStruct((num_regions_static, 64), jnp.float32),
            jax.ShapeDtypeStruct((1, 64), jnp.float32),
        ],
    )(reg_sc,
      region_adjacency[0][None, :].astype(jnp.int32),
      region_adjacency[1][None, :].astype(jnp.int32),
      W_region,
      region_area[None, :],
      perm[None, :].astype(jnp.int32))
    city_emb = city2[0]

    pos_poi_expanded = jnp.take(pos_poi_emb, checkin_to_poi, axis=0)
    neg_poi_idx = jax.random.randint(jax.random.key(2), (n,), 0,
                                     num_pois - 1)
    neg_poi_idx = jnp.where(neg_poi_idx >= checkin_to_poi,
                            neg_poi_idx + 1, neg_poi_idx)
    neg_poi_expanded = jnp.take(pos_poi_emb, neg_poi_idx, axis=0)
    pos_region_expanded = jnp.take(pos_region_emb, poi_to_region, axis=0)
    neg_reg_idx = jax.random.randint(jax.random.key(3),
                                     (num_pois_static,), 0,
                                     num_regions - 1)
    neg_reg_idx = jnp.where(neg_reg_idx >= poi_to_region,
                            neg_reg_idx + 1, neg_reg_idx)
    neg_region_expanded = jnp.take(pos_region_emb, neg_reg_idx, axis=0)

    return (pos_checkin_emb, pos_poi_expanded, neg_poi_expanded,
            pos_poi_emb, pos_region_expanded, neg_region_expanded,
            pos_region_emb, neg_region_emb, city_emb)

# --- scband reference (transcript-rebuilt; emitter-appended) ---
"""Pipeline reference for scband-check2-hgi-29394756174317 (READ-ONLY COPY).

The authoritative reference and input builder live on the scoring server;
editing this copy changes nothing except your own understanding.
"""

import jax, jax.numpy as jnp
import numpy as np

N_CHECKINS = 100000
N_EDGES = 800000
HIDDEN = 64
N_POIS = 10000
N_REGIONS = 128
N_REGION_EDGES = 2048
EPS = 1e-7


def setup_inputs(seed: int = 0):
    key = jax.random.key(seed)
    ks = jax.random.split(key, 9)
    x = jax.random.normal(ks[0], (N_CHECKINS, HIDDEN), dtype=jnp.float32)
    edge_index = jax.random.randint(ks[1], (2, N_EDGES), 0, N_CHECKINS)
    edge_weight = jax.random.uniform(ks[2], (N_EDGES,), dtype=jnp.float32)
    checkin_to_poi = jnp.sort(jax.random.randint(ks[3], (N_CHECKINS,), 0, N_POIS))
    poi_to_region = jnp.sort(jax.random.randint(ks[4], (N_POIS,), 0, N_REGIONS))
    region_adjacency = jax.random.randint(ks[5], (2, N_REGION_EDGES), 0, N_REGIONS)
    region_area = jax.random.uniform(ks[6], (N_REGIONS,), dtype=jnp.float32) + 0.1
    W_enc = jax.random.normal(ks[7], (HIDDEN, HIDDEN), dtype=jnp.float32) / np.sqrt(HIDDEN)
    W_region = jax.random.normal(ks[8], (HIDDEN, HIDDEN), dtype=jnp.float32) / np.sqrt(HIDDEN)
    return {"x": x, "edge_weight": edge_weight, "region_area": region_area,
            "W_enc": W_enc, "W_region": W_region, "edge_index": edge_index,
            "checkin_to_poi": checkin_to_poi, "poi_to_region": poi_to_region,
            "region_adjacency": region_adjacency, "num_pois": N_POIS, "num_regions": N_REGIONS}


def _segment_mean(data, seg, num):
    s = jax.ops.segment_sum(data, seg, num_segments=num)
    c = jax.ops.segment_sum(jnp.ones((data.shape[0],), dtype=data.dtype), seg, num_segments=num)
    return s / jnp.maximum(c, 1.0)[:, None]


def reference(x, edge_weight, region_area, W_enc, W_region, edge_index,
              checkin_to_poi, poi_to_region, region_adjacency, num_pois, num_regions):
    n = x.shape[0]
    num_pois_static = poi_to_region.shape[0]
    num_regions_static = region_area.shape[0]
    src, dst = edge_index[0], edge_index[1]
    # check-in encoder: edge-weight normalized GCN pass
    h = x @ W_enc
    msg = h[src] * edge_weight[:, None]
    agg = jax.ops.segment_sum(msg, dst, num_segments=n)
    deg = jax.ops.segment_sum(edge_weight, dst, num_segments=n)
    pos_checkin_emb = jax.nn.relu(h + agg / (deg[:, None] + EPS))
    # checkin2poi: segment-mean
    pos_poi_emb = _segment_mean(pos_checkin_emb, checkin_to_poi, num_pois_static)
    # poi2region: segment-mean + region adjacency GCN pass
    r0 = _segment_mean(pos_poi_emb, poi_to_region, num_regions_static)
    rsrc, rdst = region_adjacency[0], region_adjacency[1]
    nmsg = jax.ops.segment_sum(r0[rsrc], rdst, num_segments=num_regions_static)
    ndeg = jax.ops.segment_sum(jnp.ones((rsrc.shape[0],), dtype=r0.dtype), rdst, num_segments=num_regions_static)
    pos_region_emb = jnp.tanh((r0 + nmsg / jnp.maximum(ndeg, 1.0)[:, None]) @ W_region)
    # negative regions: deterministic permutation (stands in for torch.randperm)
    perm = jax.random.permutation(jax.random.key(1), num_regions_static)
    neg_region_emb = pos_region_emb[perm]
    # region2city: area-weighted mean + sigmoid readout
    w = region_area / (jnp.sum(region_area) + EPS)
    city_emb = jax.nn.sigmoid(jnp.sum(pos_region_emb * w[:, None], axis=0))
    # hierarchical expansions via gathers
    pos_poi_expanded = pos_poi_emb[checkin_to_poi]
    neg_poi_idx = jax.random.randint(jax.random.key(2), (n,), 0, num_pois - 1)
    neg_poi_idx = jnp.where(neg_poi_idx >= checkin_to_poi, neg_poi_idx + 1, neg_poi_idx)
    neg_poi_expanded = pos_poi_emb[neg_poi_idx]
    pos_region_expanded = pos_region_emb[poi_to_region]
    neg_reg_idx = jax.random.randint(jax.random.key(3), (num_pois_static,), 0, num_regions - 1)
    neg_reg_idx = jnp.where(neg_reg_idx >= poi_to_region, neg_reg_idx + 1, neg_reg_idx)
    neg_region_expanded = pos_region_emb[neg_reg_idx]
    return (pos_checkin_emb, pos_poi_expanded, neg_poi_expanded, pos_poi_emb,
            pos_region_expanded, neg_region_expanded, pos_region_emb, neg_region_emb, city_emb)

if __name__ == "__main__":
    import jax
    _d = setup_inputs()
    print(jax.jit(kernel)(*tuple(_d.values())))

</pallas_src>

<mosaic_0001>
module attributes {stable_mosaic.version = 14 : i64} {
  func.func @_matmul_kernel(%arg0: i32, %arg1: memref<2000x64xf32, #tpu.memory_space<vmem>>, %arg2: memref<64x64xf32, #tpu.memory_space<vmem>>, %arg3: memref<2000x64xf32, #tpu.memory_space<vmem>>) attributes {dimension_semantics = [#tpu.dimension_semantics<arbitrary>], iteration_bounds = array<i64: 50>, scalar_prefetch = 0 : i64, scratch_operands = 0 : i64, tpu.core_type = #tpu.core_type<tc>, window_params = [{transform_indices = @transform_0, window_bounds = array<i64: 2000, 64>}, {pipeline_mode = #tpu.pipeline_mode<synchronous>, transform_indices = @transform_1, window_bounds = array<i64: 64, 64>}, {transform_indices = @transform_2, window_bounds = array<i64: 2000, 64>}]} {
    %get3A = arith.constant 0 : index
    %get3A_0 = arith.constant 0 : index
    %get3A_1 = vector.load %arg1[%get3A, %get3A_0] : memref<2000x64xf32, #tpu.memory_space<vmem>>, vector<2000x64xf32>
    %get3A_2 = arith.constant 0 : index
    %get3A_3 = arith.constant 0 : index
    %get3A_4 = vector.load %arg2[%get3A_2, %get3A_3] : memref<64x64xf32, #tpu.memory_space<vmem>>, vector<64x64xf32>
    %dot_general3A = arith.constant dense<0.000000e+00> : vector<2000x64xf32>
    %dot_general3A_5 = tpu.matmul %get3A_1, %get3A_4, %dot_general3A {dimension_numbers = #tpu.dot_dimension_numbers<[1], [0], [0], [1], [0, 0, 1, 1], [], []>, transpose_lhs_hint = false} : vector<2000x64xf32>, vector<64x64xf32>, vector<2000x64xf32> -> vector<2000x64xf32>
    %swap3A = arith.constant 0 : index
    %swap3A_6 = arith.constant 0 : index
    %swap3A_7 = vector.load %arg3[%swap3A, %swap3A_6] : memref<2000x64xf32, #tpu.memory_space<vmem>>, vector<2000x64xf32>
    tpu.vector_store %arg3[%swap3A, %swap3A_6], %dot_general3A_5 {strides = array<i32>} : memref<2000x64xf32, #tpu.memory_space<vmem>>, vector<2000x64xf32>,
    return
  }
  func.func @transform_0(%arg0: i32) -> (i32, i32) {
    %c0_i32 = arith.constant 0 : i32
    %c0_i32_0 = arith.constant 0 : i32
    return %arg0, %c0_i32 : i32, i32
  }
  func.func @transform_1(%arg0: i32) -> (i32, i32) {
    %c0_i32 = arith.constant 0 : i32
    %c0_i32_0 = arith.constant 0 : i32
    %c0_i32_1 = arith.constant 0 : i32
    return %c0_i32, %c0_i32_0 : i32, i32
  }
  func.func @transform_2(%arg0: i32) -> (i32, i32) {
    %c0_i32 = arith.constant 0 : i32
    %c0_i32_0 = arith.constant 0 : i32
    return %arg0, %c0_i32 : i32, i32
  }
}

module attributes {stable_mosaic.version = 14 : i64} {
  func.func @_segred_kernel(%arg0: i32, %arg1: memref<1175xi32, #tpu.memory_space<smem>>, %arg2: memref<1175xi32, #tpu.memory_space<smem>>, %arg3: memref<1175xi32, #tpu.memory_space<smem>>, %arg4: memref<1175xi32, #tpu.memory_space<smem>>, %arg5: memref<1x1x2048xi32, #tpu.memory_space<vmem>>, %arg6: memref<1x1x2048xf32, #tpu.memory_space<vmem>>, %arg7: memref<2048x64xf32, #tpu.memory_space<vmem>>, %arg8: memref<128x128xf32, #tpu.memory_space<vmem>>) attributes {dimension_semantics = [#tpu.dimension_semantics<arbitrary>], iteration_bounds = array<i64: 1175>, scalar_prefetch = 4 : i64, scratch_operands = 0 : i64, tpu.core_type = #tpu.core_type<tc>, window_params = [{transform_indices = @transform_0, window_bounds = array<i64: 1, 1, 2048>}, {transform_indices = @transform_1, window_bounds = array<i64: 1, 1, 2048>}, {transform_indices = @transform_2, window_bounds = array<i64: 2048, 64>}, {transform_indices = @transform_3, window_bounds = array<i64: 128, 128>}]} {
    %get3A = arith.index_cast %arg0 : i32 to index
    %get3A_0 = memref.load %arg2[%get3A] : memref<1175xi32, #tpu.memory_space<smem>>
    %get3A_1 = arith.index_cast %arg0 : i32 to index
    %get3A_2 = memref.load %arg3[%get3A_1] : memref<1175xi32, #tpu.memory_space<smem>>
    %eq3A = arith.constant 1 : i32
    %eq3A_3 = arith.cmpi eq, %get3A_2, %eq3A : i32
    %convert_element_type3A = arith.extui %eq3A_3 : i1 to i32
    %cond3A = arith.constant 0 : i32
    %cond3A_4 = arith.cmpi ne, %convert_element_type3A, %cond3A : i32
    scf.if %cond3A_4 {
      %broadcast_in_dim3A = arith.constant 0.000000e+00 : f32
      %broadcast_in_dim3A_12 = vector.broadcast %broadcast_in_dim3A : f32 to vector<128x128xf32>
      %swap3A = arith.constant 0 : index
      %swap3A_13 = arith.constant 0 : index
      %swap3A_14 = vector.load %arg8[%swap3A, %swap3A_13] : memref<128x128xf32, #tpu.memory_space<vmem>>, vector<128x128xf32>
      tpu.vector_store %arg8[%swap3A, %swap3A_13], %broadcast_in_dim3A_12 {strides = array<i32>} : memref<128x128xf32, #tpu.memory_space<vmem>>, vector<128x128xf32>,
    } else {
    }
    %get3A_5 = arith.index_cast %arg0 : i32 to index
    %get3A_6 = memref.load %arg4[%get3A_5] : memref<1175xi32, #tpu.memory_space<smem>>
    %eq3A_7 = arith.constant 1 : i32
    %eq3A_8 = arith.cmpi eq, %get3A_6, %eq3A_7 : i32
    %convert_element_type3A_9 = arith.extui %eq3A_8 : i1 to i32
    %cond3A_10 = arith.constant 0 : i32
    %cond3A_11 = arith.cmpi ne, %convert_element_type3A_9, %cond3A_10 : i32
    scf.if %cond3A_11 {
      %get3A_12 = arith.constant 0 : index
      %get3A_13 = arith.constant 0 : index
      %get3A_14 = arith.constant 0 : index
      %get3A_15 = vector.load %arg5[%get3A_12, %get3A_13, %get3A_14] : memref<1x1x2048xi32, #tpu.memory_space<vmem>>, vector<1x1x2048xi32>
      %get3A_16 = vector.shape_cast %get3A_15 : vector<1x1x2048xi32> to vector<2048xi32>
      %get3A_17 = arith.constant 0 : index
      %get3A_18 = arith.constant 0 : index
      %get3A_19 = arith.constant 0 : index
      %get3A_20 = vector.load %arg6[%get3A_17, %get3A_18, %get3A_19] : memref<1x1x2048xf32, #tpu.memory_space<vmem>>, vector<1x1x2048xf32>
      %get3A_21 = vector.shape_cast %get3A_20 : vector<1x1x2048xf32> to vector<2048xf32>
      %mul3A = arith.constant 128 : i32
      %mul3A_22 = arith.muli %get3A_0, %mul3A : i32
      %sub3A = vector.broadcast %mul3A_22 : i32 to vector<2048xi32>
      %sub3A_23 = arith.subi %get3A_16, %sub3A : vector<2048xi32>
      %broadcast_in_dim3A = vector.shape_cast %sub3A_23 : vector<2048xi32> to vector<2048x1xi32>
      %iota3A = tpu.iota {dimensions = array<i32: 1>} : vector<2048x128xi32>
      %eq3A_24 = vector.broadcast %broadcast_in_dim3A : vector<2048x1xi32> to vector<2048x128xi32>
      %eq3A_25 = arith.cmpi eq, %eq3A_24, %iota3A : vector<2048x128xi32>
      %convert_element_type3A_26 = arith.extui %eq3A_25 : vector<2048x128xi1> to vector<2048x128xi32>
      %convert_element_type3A_27 = arith.sitofp %convert_element_type3A_26 : vector<2048x128xi32> to vector<2048x128xf32>
      %get3A_28 = arith.constant 0 : index
      %get3A_29 = arith.constant 0 : index
      %get3A_30 = vector.load %arg7[%get3A_28, %get3A_29] : memref<2048x64xf32, #tpu.memory_space<vmem>>, vector<2048x64xf32>
      %broadcast_in_dim3A_31 = vector.shape_cast %get3A_21 : vector<2048xf32> to vector<2048x1xf32>
      %mul3A_32 = vector.broadcast %broadcast_in_dim3A_31 : vector<2048x1xf32> to vector<2048x64xf32>
      %mul3A_33 = arith.mulf %get3A_30, %mul3A_32 : vector<2048x64xf32>
      %get3A_34 = arith.constant 0 : index
      %get3A_35 = arith.constant 0 : index
      %get3A_36 = vector.load %arg8[%get3A_34, %get3A_35] : memref<128x128xf32, #tpu.memory_space<vmem>>, vector<128x64xf32>
      %dot_general3A = arith.constant dense<0.000000e+00> : vector<128x64xf32>
      %dot_general3A_37 = tpu.matmul %convert_element_type3A_27, %mul3A_33, %dot_general3A {dimension_numbers = #tpu.dot_dimension_numbers<[0], [0], [1], [1], [0, 1, 1, 1], [], []>, transpose_lhs_hint = false} : vector<2048x128xf32>, vector<2048x64xf32>, vector<128x64xf32> -> vector<128x64xf32>
      %add3A = arith.addf %get3A_36, %dot_general3A_37 : vector<128x64xf32>
      %swap3A = arith.constant 0 : index
      %swap3A_38 = arith.constant 0 : index
      %swap3A_39 = vector.load %arg8[%swap3A, %swap3A_38] : memref<128x128xf32, #tpu.memory_space<vmem>>, vector<128x64xf32>
      tpu.vector_store %arg8[%swap3A, %swap3A_38], %add3A {strides = array<i32>} : memref<128x128xf32, #tpu.memory_space<vmem>>, vector<128x64xf32>,
      %get3A_40 = arith.constant 0 : index
      %get3A_41 = arith.constant 64 : index
      %get3A_42 = vector.load %arg8[%get3A_40, %get3A_41] : memref<128x128xf32, #tpu.memory_space<vmem>>, vector<128x1xf32>
      %broadcast_in_dim3A_43 = vector.shape_cast %get3A_21 : vector<2048xf32> to vector<2048x1xf32>
      %dot_general3A_44 = arith.constant dense<0.000000e+00> : vector<128x1xf32>
      %dot_general3A_45 = tpu.matmul %convert_element_type3A_27, %broadcast_in_dim3A_43, %dot_general3A_44 {dimension_numbers = #tpu.dot_dimension_numbers<[0], [0], [1], [1], [0, 1, 1, 1], [], []>, transpose_lhs_hint = false} : vector<2048x128xf32>, vector<2048x1xf32>, vector<128x1xf32> -> vector<128x1xf32>
      %add3A_46 = arith.addf %get3A_42, %dot_general3A_45 : vector<128x1xf32>
      %swap3A_47 = arith.constant 0 : index
      %swap3A_48 = arith.constant 64 : index
      %swap3A_49 = vector.load %arg8[%swap3A_47, %swap3A_48] : memref<128x128xf32, #tpu.memory_space<vmem>>, vector<128x1xf32>
      tpu.vector_store %arg8[%swap3A_47, %swap3A_48], %add3A_46 {strides = array<i32>} : memref<128x128xf32, #tpu.memory_space<vmem>>, vector<128x1xf32>,
    } else {
    }
    return
  }
  func.func @transform_0(%arg0: i32, %arg1: memref<1175xi32, #tpu.memory_space<smem>>, %arg2: memref<1175xi32, #tpu.memory_space<smem>>, %arg3: memref<1175xi32, #tpu.memory_space<smem>>, %arg4: memref<1175xi32, #tpu.memory_space<smem>>) -> (i32, i32, i32) {
    %get3A = arith.index_cast %arg0 : i32 to index
    %get3A_0 = memref.load %arg1[%get3A] : memref<1175xi32, #tpu.memory_space<smem>>
    %c0_i32 = arith.constant 0 : i32
    %c0_i32_1 = arith.constant 0 : i32
    %c0_i32_2 = arith.constant 0 : i32
    return %get3A_0, %c0_i32, %c0_i32_1 : i32, i32, i32
  }
  func.func @transform_1(%arg0: i32, %arg1: memref<1175xi32, #tpu.memory_space<smem>>, %arg2: memref<1175xi32, #tpu.memory_space<smem>>, %arg3: memref<1175xi32, #tpu.memory_space<smem>>, %arg4: memref<1175xi32, #tpu.memory_space<smem>>) -> (i32, i32, i32) {
    %get3A = arith.index_cast %arg0 : i32 to index
    %get3A_0 = memref.load %arg1[%get3A] : memref<1175xi32, #tpu.memory_space<smem>>
    %c0_i32 = arith.constant 0 : i32
    %c0_i32_1 = arith.constant 0 : i32
    %c0_i32_2 = arith.constant 0 : i32
    return %get3A_0, %c0_i32, %c0_i32_1 : i32, i32, i32
  }
  func.func @transform_2(%arg0: i32, %arg1: memref<1175xi32, #tpu.memory_space<smem>>, %arg2: memref<1175xi32, #tpu.memory_space<smem>>, %arg3: memref<1175xi32, #tpu.memory_space<smem>>, %arg4: memref<1175xi32, #tpu.memory_space<smem>>) -> (i32, i32) {
    %get3A = arith.index_cast %arg0 : i32 to index
    %get3A_0 = memref.load %arg1[%get3A] : memref<1175xi32, #tpu.memory_space<smem>>
    %c0_i32 = arith.constant 0 : i32
    %c0_i32_1 = arith.constant 0 : i32
    return %get3A_0, %c0_i32 : i32, i32
  }
  func.func @transform_3(%arg0: i32, %arg1: memref<1175xi32, #tpu.memory_space<smem>>, %arg2: memref<1175xi32, #tpu.memory_space<smem>>, %arg3: memref<1175xi32, #tpu.memory_space<smem>>, %arg4: memref<1175xi32, #tpu.memory_space<smem>>) -> (i32, i32) {
    %get3A = arith.index_cast %arg0 : i32 to index
    %get3A_0 = memref.load %arg2[%get3A] : memref<1175xi32, #tpu.memory_space<smem>>
    %c0_i32 = arith.constant 0 : i32
    %c0_i32_1 = arith.constant 0 : i32
    return %get3A_0, %c0_i32 : i32, i32
  }
}

module attributes {stable_mosaic.version = 14 : i64} {
  func.func @_combine_kernel(%arg0: i32, %arg1: memref<2000x64xf32, #tpu.memory_space<vmem>>, %arg2: memref<2000x128xf32, #tpu.memory_space<vmem>>, %arg3: memref<2000x64xf32, #tpu.memory_space<vmem>>) attributes {dimension_semantics = [#tpu.dimension_semantics<arbitrary>], iteration_bounds = array<i64: 50>, scalar_prefetch = 0 : i64, scratch_operands = 0 : i64, tpu.core_type = #tpu.core_type<tc>, window_params = [{transform_indices = @transform_0, window_bounds = array<i64: 2000, 64>}, {transform_indices = @transform_1, window_bounds = array<i64: 2000, 128>}, {transform_indices = @transform_2, window_bounds = array<i64: 2000, 64>}]} {
    %get3A = arith.constant 0 : index
    %get3A_0 = arith.constant 0 : index
    %get3A_1 = vector.load %arg2[%get3A, %get3A_0] : memref<2000x128xf32, #tpu.memory_space<vmem>>, vector<2000x64xf32>
    %get3A_2 = arith.constant 0 : index
    %get3A_3 = arith.constant 64 : index
    %get3A_4 = vector.load %arg2[%get3A_2, %get3A_3] : memref<2000x128xf32, #tpu.memory_space<vmem>>, vector<2000x1xf32>
    %get3A_5 = arith.constant 0 : index
    %get3A_6 = arith.constant 0 : index
    %get3A_7 = vector.load %arg1[%get3A_5, %get3A_6] : memref<2000x64xf32, #tpu.memory_space<vmem>>, vector<2000x64xf32>
    %add3A = arith.constant 1.000000e-07 : f32
    %add3A_8 = vector.broadcast %add3A : f32 to vector<2000x1xf32>
    %add3A_9 = arith.addf %get3A_4, %add3A_8 : vector<2000x1xf32>
    %div3A = vector.broadcast %add3A_9 : vector<2000x1xf32> to vector<2000x64xf32>
    %div3A_10 = arith.divf %get3A_1, %div3A : vector<2000x64xf32>
    %add3A_11 = arith.addf %get3A_7, %div3A_10 : vector<2000x64xf32>
    %max3A = arith.constant 0.000000e+00 : f32
    %max3A_12 = vector.broadcast %max3A : f32 to vector<2000x64xf32>
    %max3A_13 = arith.maximumf %add3A_11, %max3A_12 : vector<2000x64xf32>
    %swap3A = arith.constant 0 : index
    %swap3A_14 = arith.constant 0 : index
    %swap3A_15 = vector.load %arg3[%swap3A, %swap3A_14] : memref<2000x64xf32, #tpu.memory_space<vmem>>, vector<2000x64xf32>
    tpu.vector_store %arg3[%swap3A, %swap3A_14], %max3A_13 {strides = array<i32>} : memref<2000x64xf32, #tpu.memory_space<vmem>>, vector<2000x64xf32>,
    return
  }
  func.func @transform_0(%arg0: i32) -> (i32, i32) {
    %c0_i32 = arith.constant 0 : i32
    %c0_i32_0 = arith.constant 0 : i32
    return %arg0, %c0_i32 : i32, i32
  }
  func.func @transform_1(%arg0: i32) -> (i32, i32) {
    %c0_i32 = arith.constant 0 : i32
    %c0_i32_0 = arith.constant 0 : i32
    return %arg0, %c0_i32 : i32, i32
  }
  func.func @transform_2(%arg0: i32) -> (i32, i32) {
    %c0_i32 = arith.constant 0 : i32
    %c0_i32_0 = arith.constant 0 : i32
    return %arg0, %c0_i32 : i32, i32
  }
}

module attributes {stable_mosaic.version = 14 : i64} {
  func.func @_segred_kernel(%arg0: i32, %arg1: memref<89xi32, #tpu.memory_space<smem>>, %arg2: memref<89xi32, #tpu.memory_space<smem>>, %arg3: memref<89xi32, #tpu.memory_space<smem>>, %arg4: memref<89xi32, #tpu.memory_space<smem>>, %arg5: memref<1x1x2048xi32, #tpu.memory_space<vmem>>, %arg6: memref<1x1x2048xf32, #tpu.memory_space<vmem>>, %arg7: memref<2048x64xf32, #tpu.memory_space<vmem>>, %arg8: memref<256x128xf32, #tpu.memory_space<vmem>>) attributes {dimension_semantics = [#tpu.dimension_semantics<arbitrary>], iteration_bounds = array<i64: 89>, scalar_prefetch = 4 : i64, scratch_operands = 0 : i64, tpu.core_type = #tpu.core_type<tc>, window_params = [{transform_indices = @transform_0, window_bounds = array<i64: 1, 1, 2048>}, {transform_indices = @transform_1, window_bounds = array<i64: 1, 1, 2048>}, {transform_indices = @transform_2, window_bounds = array<i64: 2048, 64>}, {transform_indices = @transform_3, window_bounds = array<i64: 256, 128>}]} {
    %get3A = arith.index_cast %arg0 : i32 to index
    %get3A_0 = memref.load %arg2[%get3A] : memref<89xi32, #tpu.memory_space<smem>>
    %get3A_1 = arith.index_cast %arg0 : i32 to index
    %get3A_2 = memref.load %arg3[%get3A_1] : memref<89xi32, #tpu.memory_space<smem>>
    %eq3A = arith.constant 1 : i32
    %eq3A_3 = arith.cmpi eq, %get3A_2, %eq3A : i32
    %convert_element_type3A = arith.extui %eq3A_3 : i1 to i32
    %cond3A = arith.constant 0 : i32
    %cond3A_4 = arith.cmpi ne, %convert_element_type3A, %cond3A : i32
    scf.if %cond3A_4 {
      %broadcast_in_dim3A = arith.constant 0.000000e+00 : f32
      %broadcast_in_dim3A_12 = vector.broadcast %broadcast_in_dim3A : f32 to vector<256x128xf32>
      %swap3A = arith.constant 0 : index
      %swap3A_13 = arith.constant 0 : index
      %swap3A_14 = vector.load %arg8[%swap3A, %swap3A_13] : memref<256x128xf32, #tpu.memory_space<vmem>>, vector<256x128xf32>
      tpu.vector_store %arg8[%swap3A, %swap3A_13], %broadcast_in_dim3A_12 {strides = array<i32>} : memref<256x128xf32, #tpu.memory_space<vmem>>, vector<256x128xf32>,
    } else {
    }
    %get3A_5 = arith.index_cast %arg0 : i32 to index
    %get3A_6 = memref.load %arg4[%get3A_5] : memref<89xi32, #tpu.memory_space<smem>>
    %eq3A_7 = arith.constant 1 : i32
    %eq3A_8 = arith.cmpi eq, %get3A_6, %eq3A_7 : i32
    %convert_element_type3A_9 = arith.extui %eq3A_8 : i1 to i32
    %cond3A_10 = arith.constant 0 : i32
    %cond3A_11 = arith.cmpi ne, %convert_element_type3A_9, %cond3A_10 : i32
    scf.if %cond3A_11 {
      %get3A_12 = arith.constant 0 : index
      %get3A_13 = arith.constant 0 : index
      %get3A_14 = arith.constant 0 : index
      %get3A_15 = vector.load %arg5[%get3A_12, %get3A_13, %get3A_14] : memref<1x1x2048xi32, #tpu.memory_space<vmem>>, vector<1x1x2048xi32>
      %get3A_16 = vector.shape_cast %get3A_15 : vector<1x1x2048xi32> to vector<2048xi32>
      %get3A_17 = arith.constant 0 : index
      %get3A_18 = arith.constant 0 : index
      %get3A_19 = arith.constant 0 : index
      %get3A_20 = vector.load %arg6[%get3A_17, %get3A_18, %get3A_19] : memref<1x1x2048xf32, #tpu.memory_space<vmem>>, vector<1x1x2048xf32>
      %get3A_21 = vector.shape_cast %get3A_20 : vector<1x1x2048xf32> to vector<2048xf32>
      %mul3A = arith.constant 256 : i32
      %mul3A_22 = arith.muli %get3A_0, %mul3A : i32
      %sub3A = vector.broadcast %mul3A_22 : i32 to vector<2048xi32>
      %sub3A_23 = arith.subi %get3A_16, %sub3A : vector<2048xi32>
      %broadcast_in_dim3A = vector.shape_cast %sub3A_23 : vector<2048xi32> to vector<2048x1xi32>
      %iota3A = tpu.iota {dimensions = array<i32: 1>} : vector<2048x256xi32>
      %eq3A_24 = vector.broadcast %broadcast_in_dim3A : vector<2048x1xi32> to vector<2048x256xi32>
      %eq3A_25 = arith.cmpi eq, %eq3A_24, %iota3A : vector<2048x256xi32>
      %convert_element_type3A_26 = arith.extui %eq3A_25 : vector<2048x256xi1> to vector<2048x256xi32>
      %convert_element_type3A_27 = arith.sitofp %convert_element_type3A_26 : vector<2048x256xi32> to vector<2048x256xf32>
      %get3A_28 = arith.constant 0 : index
      %get3A_29 = arith.constant 0 : index
      %get3A_30 = vector.load %arg7[%get3A_28, %get3A_29] : memref<2048x64xf32, #tpu.memory_space<vmem>>, vector<2048x64xf32>
      %broadcast_in_dim3A_31 = vector.shape_cast %get3A_21 : vector<2048xf32> to vector<2048x1xf32>
      %mul3A_32 = vector.broadcast %broadcast_in_dim3A_31 : vector<2048x1xf32> to vector<2048x64xf32>
      %mul3A_33 = arith.mulf %get3A_30, %mul3A_32 : vector<2048x64xf32>
      %get3A_34 = arith.constant 0 : index
      %get3A_35 = arith.constant 0 : index
      %get3A_36 = vector.load %arg8[%get3A_34, %get3A_35] : memref<256x128xf32, #tpu.memory_space<vmem>>, vector<256x64xf32>
      %dot_general3A = arith.constant dense<0.000000e+00> : vector<256x64xf32>
      %dot_general3A_37 = tpu.matmul %convert_element_type3A_27, %mul3A_33, %dot_general3A {dimension_numbers = #tpu.dot_dimension_numbers<[0], [0], [1], [1], [0, 1, 1, 1], [], []>, transpose_lhs_hint = false} : vector<2048x256xf32>, vector<2048x64xf32>, vector<256x64xf32> -> vector<256x64xf32>
      %add3A = arith.addf %get3A_36, %dot_general3A_37 : vector<256x64xf32>
      %swap3A = arith.constant 0 : index
      %swap3A_38 = arith.constant 0 : index
      %swap3A_39 = vector.load %arg8[%swap3A, %swap3A_38] : memref<256x128xf32, #tpu.memory_space<vmem>>, vector<256x64xf32>
      tpu.vector_store %arg8[%swap3A, %swap3A_38], %add3A {strides = array<i32>} : memref<256x128xf32, #tpu.memory_space<vmem>>, vector<256x64xf32>,
      %get3A_40 = arith.constant 0 : index
      %get3A_41 = arith.constant 64 : index
      %get3A_42 = vector.load %arg8[%get3A_40, %get3A_41] : memref<256x128xf32, #tpu.memory_space<vmem>>, vector<256x1xf32>
      %broadcast_in_dim3A_43 = vector.shape_cast %get3A_21 : vector<2048xf32> to vector<2048x1xf32>
      %dot_general3A_44 = arith.constant dense<0.000000e+00> : vector<256x1xf32>
      %dot_general3A_45 = tpu.matmul %convert_element_type3A_27, %broadcast_in_dim3A_43, %dot_general3A_44 {dimension_numbers = #tpu.dot_dimension_numbers<[0], [0], [1], [1], [0, 1, 1, 1], [], []>, transpose_lhs_hint = false} : vector<2048x256xf32>, vector<2048x1xf32>, vector<256x1xf32> -> vector<256x1xf32>
      %add3A_46 = arith.addf %get3A_42, %dot_general3A_45 : vector<256x1xf32>
      %swap3A_47 = arith.constant 0 : index
      %swap3A_48 = arith.constant 64 : index
      %swap3A_49 = vector.load %arg8[%swap3A_47, %swap3A_48] : memref<256x128xf32, #tpu.memory_space<vmem>>, vector<256x1xf32>
      tpu.vector_store %arg8[%swap3A_47, %swap3A_48], %add3A_46 {strides = array<i32>} : memref<256x128xf32, #tpu.memory_space<vmem>>, vector<256x1xf32>,
    } else {
    }
    return
  }
  func.func @transform_0(%arg0: i32, %arg1: memref<89xi32, #tpu.memory_space<smem>>, %arg2: memref<89xi32, #tpu.memory_space<smem>>, %arg3: memref<89xi32, #tpu.memory_space<smem>>, %arg4: memref<89xi32, #tpu.memory_space<smem>>) -> (i32, i32, i32) {
    %get3A = arith.index_cast %arg0 : i32 to index
    %get3A_0 = memref.load %arg1[%get3A] : memref<89xi32, #tpu.memory_space<smem>>
    %c0_i32 = arith.constant 0 : i32
    %c0_i32_1 = arith.constant 0 : i32
    %c0_i32_2 = arith.constant 0 : i32
    return %get3A_0, %c0_i32, %c0_i32_1 : i32, i32, i32
  }
  func.func @transform_1(%arg0: i32, %arg1: memref<89xi32, #tpu.memory_space<smem>>, %arg2: memref<89xi32, #tpu.memory_space<smem>>, %arg3: memref<89xi32, #tpu.memory_space<smem>>, %arg4: memref<89xi32, #tpu.memory_space<smem>>) -> (i32, i32, i32) {
    %get3A = arith.index_cast %arg0 : i32 to index
    %get3A_0 = memref.load %arg1[%get3A] : memref<89xi32, #tpu.memory_space<smem>>
    %c0_i32 = arith.constant 0 : i32
    %c0_i32_1 = arith.constant 0 : i32
    %c0_i32_2 = arith.constant 0 : i32
    return %get3A_0, %c0_i32, %c0_i32_1 : i32, i32, i32
  }
  func.func @transform_2(%arg0: i32, %arg1: memref<89xi32, #tpu.memory_space<smem>>, %arg2: memref<89xi32, #tpu.memory_space<smem>>, %arg3: memref<89xi32, #tpu.memory_space<smem>>, %arg4: memref<89xi32, #tpu.memory_space<smem>>) -> (i32, i32) {
    %get3A = arith.index_cast %arg0 : i32 to index
    %get3A_0 = memref.load %arg1[%get3A] : memref<89xi32, #tpu.memory_space<smem>>
    %c0_i32 = arith.constant 0 : i32
    %c0_i32_1 = arith.constant 0 : i32
    return %get3A_0, %c0_i32 : i32, i32
  }
  func.func @transform_3(%arg0: i32, %arg1: memref<89xi32, #tpu.memory_space<smem>>, %arg2: memref<89xi32, #tpu.memory_space<smem>>, %arg3: memref<89xi32, #tpu.memory_space<smem>>, %arg4: memref<89xi32, #tpu.memory_space<smem>>) -> (i32, i32) {
    %get3A = arith.index_cast %arg0 : i32 to index
    %get3A_0 = memref.load %arg2[%get3A] : memref<89xi32, #tpu.memory_space<smem>>
    %c0_i32 = arith.constant 0 : i32
    %c0_i32_1 = arith.constant 0 : i32
    return %get3A_0, %c0_i32 : i32, i32
  }
}

module attributes {stable_mosaic.version = 14 : i64} {
  func.func @_divide_kernel(%arg0: i32, %arg1: memref<2048x128xf32, #tpu.memory_space<vmem>>, %arg2: memref<2048x64xf32, #tpu.memory_space<vmem>>) attributes {dimension_semantics = [#tpu.dimension_semantics<arbitrary>], iteration_bounds = array<i64: 5>, scalar_prefetch = 0 : i64, scratch_operands = 0 : i64, tpu.core_type = #tpu.core_type<tc>, window_params = [{transform_indices = @transform_0, window_bounds = array<i64: 2048, 128>}, {transform_indices = @transform_1, window_bounds = array<i64: 2048, 64>}]} {
    %get3A = arith.constant 0 : index
    %get3A_0 = arith.constant 0 : index
    %get3A_1 = vector.load %arg1[%get3A, %get3A_0] : memref<2048x128xf32, #tpu.memory_space<vmem>>, vector<2048x64xf32>
    %get3A_2 = arith.constant 0 : index
    %get3A_3 = arith.constant 64 : index
    %get3A_4 = vector.load %arg1[%get3A_2, %get3A_3] : memref<2048x128xf32, #tpu.memory_space<vmem>>, vector<2048x1xf32>
    %max3A = arith.constant 1.000000e+00 : f32
    %max3A_5 = vector.broadcast %max3A : f32 to vector<2048x1xf32>
    %max3A_6 = arith.maximumf %get3A_4, %max3A_5 : vector<2048x1xf32>
    %div3A = vector.broadcast %max3A_6 : vector<2048x1xf32> to vector<2048x64xf32>
    %div3A_7 = arith.divf %get3A_1, %div3A : vector<2048x64xf32>
    %swap3A = arith.constant 0 : index
    %swap3A_8 = arith.constant 0 : index
    %swap3A_9 = vector.load %arg2[%swap3A, %swap3A_8] : memref<2048x64xf32, #tpu.memory_space<vmem>>, vector<2048x64xf32>
    tpu.vector_store %arg2[%swap3A, %swap3A_8], %div3A_7 {strides = array<i32>} : memref<2048x64xf32, #tpu.memory_space<vmem>>, vector<2048x64xf32>,
    return
  }
  func.func @transform_0(%arg0: i32) -> (i32, i32) {
    %c0_i32 = arith.constant 0 : i32
    %c0_i32_0 = arith.constant 0 : i32
    return %arg0, %c0_i32 : i32, i32
  }
  func.func @transform_1(%arg0: i32) -> (i32, i32) {
    %c0_i32 = arith.constant 0 : i32
    %c0_i32_0 = arith.constant 0 : i32
    return %arg0, %c0_i32 : i32, i32
  }
}

module attributes {stable_mosaic.version = 14 : i64} {
  func.func @_segred_kernel(%arg0: i32, %arg1: memref<6xi32, #tpu.memory_space<smem>>, %arg2: memref<6xi32, #tpu.memory_space<smem>>, %arg3: memref<6xi32, #tpu.memory_space<smem>>, %arg4: memref<6xi32, #tpu.memory_space<smem>>, %arg5: memref<1x1x2048xi32, #tpu.memory_space<vmem>>, %arg6: memref<1x1x2048xf32, #tpu.memory_space<vmem>>, %arg7: memref<2048x64xf32, #tpu.memory_space<vmem>>, %arg8: memref<128x128xf32, #tpu.memory_space<vmem>>) attributes {dimension_semantics = [#tpu.dimension_semantics<arbitrary>], iteration_bounds = array<i64: 6>, scalar_prefetch = 4 : i64, scratch_operands = 0 : i64, tpu.core_type = #tpu.core_type<tc>, window_params = [{transform_indices = @transform_0, window_bounds = array<i64: 1, 1, 2048>}, {transform_indices = @transform_1, window_bounds = array<i64: 1, 1, 2048>}, {transform_indices = @transform_2, window_bounds = array<i64: 2048, 64>}, {transform_indices = @transform_3, window_bounds = array<i64: 128, 128>}]} {
    %get3A = arith.index_cast %arg0 : i32 to index
    %get3A_0 = memref.load %arg2[%get3A] : memref<6xi32, #tpu.memory_space<smem>>
    %get3A_1 = arith.index_cast %arg0 : i32 to index
    %get3A_2 = memref.load %arg3[%get3A_1] : memref<6xi32, #tpu.memory_space<smem>>
    %eq3A = arith.constant 1 : i32
    %eq3A_3 = arith.cmpi eq, %get3A_2, %eq3A : i32
    %convert_element_type3A = arith.extui %eq3A_3 : i1 to i32
    %cond3A = arith.constant 0 : i32
    %cond3A_4 = arith.cmpi ne, %convert_element_type3A, %cond3A : i32
    scf.if %cond3A_4 {
      %broadcast_in_dim3A = arith.constant 0.000000e+00 : f32
      %broadcast_in_dim3A_12 = vector.broadcast %broadcast_in_dim3A : f32 to vector<128x128xf32>
      %swap3A = arith.constant 0 : index
      %swap3A_13 = arith.constant 0 : index
      %swap3A_14 = vector.load %arg8[%swap3A, %swap3A_13] : memref<128x128xf32, #tpu.memory_space<vmem>>, vector<128x128xf32>
      tpu.vector_store %arg8[%swap3A, %swap3A_13], %broadcast_in_dim3A_12 {strides = array<i32>} : memref<128x128xf32, #tpu.memory_space<vmem>>, vector<128x128xf32>,
    } else {
    }
    %get3A_5 = arith.index_cast %arg0 : i32 to index
    %get3A_6 = memref.load %arg4[%get3A_5] : memref<6xi32, #tpu.memory_space<smem>>
    %eq3A_7 = arith.constant 1 : i32
    %eq3A_8 = arith.cmpi eq, %get3A_6, %eq3A_7 : i32
    %convert_element_type3A_9 = arith.extui %eq3A_8 : i1 to i32
    %cond3A_10 = arith.constant 0 : i32
    %cond3A_11 = arith.cmpi ne, %convert_element_type3A_9, %cond3A_10 : i32
    scf.if %cond3A_11 {
      %get3A_12 = arith.constant 0 : index
      %get3A_13 = arith.constant 0 : index
      %get3A_14 = arith.constant 0 : index
      %get3A_15 = vector.load %arg5[%get3A_12, %get3A_13, %get3A_14] : memref<1x1x2048xi32, #tpu.memory_space<vmem>>, vector<1x1x2048xi32>
      %get3A_16 = vector.shape_cast %get3A_15 : vector<1x1x2048xi32> to vector<2048xi32>
      %get3A_17 = arith.constant 0 : index
      %get3A_18 = arith.constant 0 : index
      %get3A_19 = arith.constant 0 : index
      %get3A_20 = vector.load %arg6[%get3A_17, %get3A_18, %get3A_19] : memref<1x1x2048xf32, #tpu.memory_space<vmem>>, vector<1x1x2048xf32>
      %get3A_21 = vector.shape_cast %get3A_20 : vector<1x1x2048xf32> to vector<2048xf32>
      %mul3A = arith.constant 128 : i32
      %mul3A_22 = arith.muli %get3A_0, %mul3A : i32
      %sub3A = vector.broadcast %mul3A_22 : i32 to vector<2048xi32>
      %sub3A_23 = arith.subi %get3A_16, %sub3A : vector<2048xi32>
      %broadcast_in_dim3A = vector.shape_cast %sub3A_23 : vector<2048xi32> to vector<2048x1xi32>
      %iota3A = tpu.iota {dimensions = array<i32: 1>} : vector<2048x128xi32>
      %eq3A_24 = vector.broadcast %broadcast_in_dim3A : vector<2048x1xi32> to vector<2048x128xi32>
      %eq3A_25 = arith.cmpi eq, %eq3A_24, %iota3A : vector<2048x128xi32>
      %convert_element_type3A_26 = arith.extui %eq3A_25 : vector<2048x128xi1> to vector<2048x128xi32>
      %convert_element_type3A_27 = arith.sitofp %convert_element_type3A_26 : vector<2048x128xi32> to vector<2048x128xf32>
      %get3A_28 = arith.constant 0 : index
      %get3A_29 = arith.constant 0 : index
      %get3A_30 = vector.load %arg7[%get3A_28, %get3A_29] : memref<2048x64xf32, #tpu.memory_space<vmem>>, vector<2048x64xf32>
      %broadcast_in_dim3A_31 = vector.shape_cast %get3A_21 : vector<2048xf32> to vector<2048x1xf32>
      %mul3A_32 = vector.broadcast %broadcast_in_dim3A_31 : vector<2048x1xf32> to vector<2048x64xf32>
      %mul3A_33 = arith.mulf %get3A_30, %mul3A_32 : vector<2048x64xf32>
      %get3A_34 = arith.constant 0 : index
      %get3A_35 = arith.constant 0 : index
      %get3A_36 = vector.load %arg8[%get3A_34, %get3A_35] : memref<128x128xf32, #tpu.memory_space<vmem>>, vector<128x64xf32>
      %dot_general3A = arith.constant dense<0.000000e+00> : vector<128x64xf32>
      %dot_general3A_37 = tpu.matmul %convert_element_type3A_27, %mul3A_33, %dot_general3A {dimension_numbers = #tpu.dot_dimension_numbers<[0], [0], [1], [1], [0, 1, 1, 1], [], []>, transpose_lhs_hint = false} : vector<2048x128xf32>, vector<2048x64xf32>, vector<128x64xf32> -> vector<128x64xf32>
      %add3A = arith.addf %get3A_36, %dot_general3A_37 : vector<128x64xf32>
      %swap3A = arith.constant 0 : index
      %swap3A_38 = arith.constant 0 : index
      %swap3A_39 = vector.load %arg8[%swap3A, %swap3A_38] : memref<128x128xf32, #tpu.memory_space<vmem>>, vector<128x64xf32>
      tpu.vector_store %arg8[%swap3A, %swap3A_38], %add3A {strides = array<i32>} : memref<128x128xf32, #tpu.memory_space<vmem>>, vector<128x64xf32>,
      %get3A_40 = arith.constant 0 : index
      %get3A_41 = arith.constant 64 : index
      %get3A_42 = vector.load %arg8[%get3A_40, %get3A_41] : memref<128x128xf32, #tpu.memory_space<vmem>>, vector<128x1xf32>
      %broadcast_in_dim3A_43 = vector.shape_cast %get3A_21 : vector<2048xf32> to vector<2048x1xf32>
      %dot_general3A_44 = arith.constant dense<0.000000e+00> : vector<128x1xf32>
      %dot_general3A_45 = tpu.matmul %convert_element_type3A_27, %broadcast_in_dim3A_43, %dot_general3A_44 {dimension_numbers = #tpu.dot_dimension_numbers<[0], [0], [1], [1], [0, 1, 1, 1], [], []>, transpose_lhs_hint = false} : vector<2048x128xf32>, vector<2048x1xf32>, vector<128x1xf32> -> vector<128x1xf32>
      %add3A_46 = arith.addf %get3A_42, %dot_general3A_45 : vector<128x1xf32>
      %swap3A_47 = arith.constant 0 : index
      %swap3A_48 = arith.constant 64 : index
      %swap3A_49 = vector.load %arg8[%swap3A_47, %swap3A_48] : memref<128x128xf32, #tpu.memory_space<vmem>>, vector<128x1xf32>
      tpu.vector_store %arg8[%swap3A_47, %swap3A_48], %add3A_46 {strides = array<i32>} : memref<128x128xf32, #tpu.memory_space<vmem>>, vector<128x1xf32>,
    } else {
    }
    return
  }
  func.func @transform_0(%arg0: i32, %arg1: memref<6xi32, #tpu.memory_space<smem>>, %arg2: memref<6xi32, #tpu.memory_space<smem>>, %arg3: memref<6xi32, #tpu.memory_space<smem>>, %arg4: memref<6xi32, #tpu.memory_space<smem>>) -> (i32, i32, i32) {
    %get3A = arith.index_cast %arg0 : i32 to index
    %get3A_0 = memref.load %arg1[%get3A] : memref<6xi32, #tpu.memory_space<smem>>
    %c0_i32 = arith.constant 0 : i32
    %c0_i32_1 = arith.constant 0 : i32
    %c0_i32_2 = arith.constant 0 : i32
    return %get3A_0, %c0_i32, %c0_i32_1 : i32, i32, i32
  }
  func.func @transform_1(%arg0: i32, %arg1: memref<6xi32, #tpu.memory_space<smem>>, %arg2: memref<6xi32, #tpu.memory_space<smem>>, %arg3: memref<6xi32, #tpu.memory_space<smem>>, %arg4: memref<6xi32, #tpu.memory_space<smem>>) -> (i32, i32, i32) {
    %get3A = arith.index_cast %arg0 : i32 to index
    %get3A_0 = memref.load %arg1[%get3A] : memref<6xi32, #tpu.memory_space<smem>>
    %c0_i32 = arith.constant 0 : i32
    %c0_i32_1 = arith.constant 0 : i32
    %c0_i32_2 = arith.constant 0 : i32
    return %get3A_0, %c0_i32, %c0_i32_1 : i32, i32, i32
  }
  func.func @transform_2(%arg0: i32, %arg1: memref<6xi32, #tpu.memory_space<smem>>, %arg2: memref<6xi32, #tpu.memory_space<smem>>, %arg3: memref<6xi32, #tpu.memory_space<smem>>, %arg4: memref<6xi32, #tpu.memory_space<smem>>) -> (i32, i32) {
    %get3A = arith.index_cast %arg0 : i32 to index
    %get3A_0 = memref.load %arg1[%get3A] : memref<6xi32, #tpu.memory_space<smem>>
    %c0_i32 = arith.constant 0 : i32
    %c0_i32_1 = arith.constant 0 : i32
    return %get3A_0, %c0_i32 : i32, i32
  }
  func.func @transform_3(%arg0: i32, %arg1: memref<6xi32, #tpu.memory_space<smem>>, %arg2: memref<6xi32, #tpu.memory_space<smem>>, %arg3: memref<6xi32, #tpu.memory_space<smem>>, %arg4: memref<6xi32, #tpu.memory_space<smem>>) -> (i32, i32) {
    %get3A = arith.index_cast %arg0 : i32 to index
    %get3A_0 = memref.load %arg2[%get3A] : memref<6xi32, #tpu.memory_space<smem>>
    %c0_i32 = arith.constant 0 : i32
    %c0_i32_1 = arith.constant 0 : i32
    return %get3A_0, %c0_i32 : i32, i32
  }
}

module attributes {stable_mosaic.version = 14 : i64} {
  func.func @_region_kernel(%arg0: memref<128x128xf32, #tpu.memory_space<vmem>>, %arg1: memref<1x2048xi32, #tpu.memory_space<vmem>>, %arg2: memref<1x2048xi32, #tpu.memory_space<vmem>>, %arg3: memref<64x64xf32, #tpu.memory_space<vmem>>, %arg4: memref<1x128xf32, #tpu.memory_space<vmem>>, %arg5: memref<1x128xi32, #tpu.memory_space<vmem>>, %arg6: memref<128x64xf32, #tpu.memory_space<vmem>>, %arg7: memref<128x64xf32, #tpu.memory_space<vmem>>, %arg8: memref<1x64xf32, #tpu.memory_space<vmem>>) attributes {dimension_semantics = [], scalar_prefetch = 0 : i64, scratch_operands = 0 : i64, tpu.core_type = #tpu.core_type<tc>} {
    %get3A = arith.constant 0 : index
    %get3A_0 = arith.constant 0 : index
    %get3A_1 = vector.load %arg0[%get3A, %get3A_0] : memref<128x128xf32, #tpu.memory_space<vmem>>, vector<128x64xf32>
    %get3A_2 = arith.constant 0 : index
    %get3A_3 = arith.constant 64 : index
    %get3A_4 = vector.load %arg0[%get3A_2, %get3A_3] : memref<128x128xf32, #tpu.memory_space<vmem>>, vector<128x1xf32>
    %max3A = arith.constant 1.000000e+00 : f32
    %max3A_5 = vector.broadcast %max3A : f32 to vector<128x1xf32>
    %max3A_6 = arith.maximumf %get3A_4, %max3A_5 : vector<128x1xf32>
    %div3A = vector.broadcast %max3A_6 : vector<128x1xf32> to vector<128x64xf32>
    %div3A_7 = arith.divf %get3A_1, %div3A : vector<128x64xf32>
    %get3A_8 = arith.constant 0 : index
    %get3A_9 = arith.constant 0 : index
    %get3A_10 = vector.load %arg1[%get3A_8, %get3A_9] : memref<1x2048xi32, #tpu.memory_space<vmem>>, vector<1x2048xi32>
    %get3A_11 = vector.shape_cast %get3A_10 : vector<1x2048xi32> to vector<2048xi32>
    %get3A_12 = arith.constant 0 : index
    %get3A_13 = arith.constant 0 : index
    %get3A_14 = vector.load %arg2[%get3A_12, %get3A_13] : memref<1x2048xi32, #tpu.memory_space<vmem>>, vector<1x2048xi32>
    %get3A_15 = vector.shape_cast %get3A_14 : vector<1x2048xi32> to vector<2048xi32>
    %iota3A = tpu.iota {dimensions = array<i32: 1>} : vector<2048x128xi32>
    %broadcast_in_dim3A = vector.shape_cast %get3A_11 : vector<2048xi32> to vector<2048x1xi32>
    %eq3A = vector.broadcast %broadcast_in_dim3A : vector<2048x1xi32> to vector<2048x128xi32>
    %eq3A_16 = arith.cmpi eq, %eq3A, %iota3A : vector<2048x128xi32>
    %convert_element_type3A = arith.extui %eq3A_16 : vector<2048x128xi1> to vector<2048x128xi32>
    %convert_element_type3A_17 = arith.sitofp %convert_element_type3A : vector<2048x128xi32> to vector<2048x128xf32>
    %broadcast_in_dim3A_18 = vector.shape_cast %get3A_15 : vector<2048xi32> to vector<2048x1xi32>
    %eq3A_19 = vector.broadcast %broadcast_in_dim3A_18 : vector<2048x1xi32> to vector<2048x128xi32>
    %eq3A_20 = arith.cmpi eq, %eq3A_19, %iota3A : vector<2048x128xi32>
    %convert_element_type3A_21 = arith.extui %eq3A_20 : vector<2048x128xi1> to vector<2048x128xi32>
    %convert_element_type3A_22 = arith.sitofp %convert_element_type3A_21 : vector<2048x128xi32> to vector<2048x128xf32>
    %dot_general3A = arith.constant dense<0.000000e+00> : vector<2048x64xf32>
    %dot_general3A_23 = tpu.matmul %convert_element_type3A_17, %div3A_7, %dot_general3A {dimension_numbers = #tpu.dot_dimension_numbers<[1], [0], [0], [1], [0, 0, 1, 1], [], []>, transpose_lhs_hint = false} : vector<2048x128xf32>, vector<128x64xf32>, vector<2048x64xf32> -> vector<2048x64xf32>
    %dot_general3A_24 = arith.constant dense<0.000000e+00> : vector<128x64xf32>
    %dot_general3A_25 = tpu.matmul %convert_element_type3A_22, %dot_general3A_23, %dot_general3A_24 {dimension_numbers = #tpu.dot_dimension_numbers<[0], [0], [1], [1], [0, 1, 1, 1], [], []>, transpose_lhs_hint = false} : vector<2048x128xf32>, vector<2048x64xf32>, vector<128x64xf32> -> vector<128x64xf32>
    %reduce_sum3A = arith.constant dense<0.000000e+00> : vector<128xf32>
    %reduce_sum3A_26 = vector.multi_reduction <add>, %convert_element_type3A_22, %reduce_sum3A [0] : vector<2048x128xf32> to vector<128xf32>
    %broadcast_in_dim3A_27 = vector.shape_cast %reduce_sum3A_26 : vector<128xf32> to vector<128x1xf32>
    %max3A_28 = arith.constant 1.000000e+00 : f32
    %max3A_29 = vector.broadcast %max3A_28 : f32 to vector<128x1xf32>
    %max3A_30 = arith.maximumf %broadcast_in_dim3A_27, %max3A_29 : vector<128x1xf32>
    %div3A_31 = vector.broadcast %max3A_30 : vector<128x1xf32> to vector<128x64xf32>
    %div3A_32 = arith.divf %dot_general3A_25, %div3A_31 : vector<128x64xf32>
    %add3A = arith.addf %div3A_7, %div3A_32 : vector<128x64xf32>
    %get3A_33 = arith.constant 0 : index
    %get3A_34 = arith.constant 0 : index
    %get3A_35 = vector.load %arg3[%get3A_33, %get3A_34] : memref<64x64xf32, #tpu.memory_space<vmem>>, vector<64x64xf32>
    %dot_general3A_36 = arith.constant dense<0.000000e+00> : vector<128x64xf32>
    %dot_general3A_37 = tpu.matmul %add3A, %get3A_35, %dot_general3A_36 {dimension_numbers = #tpu.dot_dimension_numbers<[1], [0], [0], [1], [0, 0, 1, 1], [], []>, transpose_lhs_hint = false} : vector<128x64xf32>, vector<64x64xf32>, vector<128x64xf32> -> vector<128x64xf32>
    %tanh3A = math.tanh %dot_general3A_37 : vector<128x64xf32>
    %swap3A = arith.constant 0 : index
    %swap3A_38 = arith.constant 0 : index
    %swap3A_39 = vector.load %arg6[%swap3A, %swap3A_38] : memref<128x64xf32, #tpu.memory_space<vmem>>, vector<128x64xf32>
    tpu.vector_store %arg6[%swap3A, %swap3A_38], %tanh3A {strides = array<i32>} : memref<128x64xf32, #tpu.memory_space<vmem>>, vector<128x64xf32>,
    %get3A_40 = arith.constant 0 : index
    %get3A_41 = arith.constant 0 : index
    %get3A_42 = vector.load %arg5[%get3A_40, %get3A_41] : memref<1x128xi32, #tpu.memory_space<vmem>>, vector<1x128xi32>
    %get3A_43 = vector.shape_cast %get3A_42 : vector<1x128xi32> to vector<128xi32>
    %iota3A_44 = tpu.iota {dimensions = array<i32: 1>} : vector<128x128xi32>
    %broadcast_in_dim3A_45 = vector.shape_cast %get3A_43 : vector<128xi32> to vector<128x1xi32>
    %eq3A_46 = vector.broadcast %broadcast_in_dim3A_45 : vector<128x1xi32> to vector<128x128xi32>
    %eq3A_47 = arith.cmpi eq, %eq3A_46, %iota3A_44 : vector<128x128xi32>
    %convert_element_type3A_48 = arith.extui %eq3A_47 : vector<128x128xi1> to vector<128x128xi32>
    %convert_element_type3A_49 = arith.sitofp %convert_element_type3A_48 : vector<128x128xi32> to vector<128x128xf32>
    %dot_general3A_50 = arith.constant dense<0.000000e+00> : vector<128x64xf32>
    %dot_general3A_51 = tpu.matmul %convert_element_type3A_49, %tanh3A, %dot_general3A_50 {dimension_numbers = #tpu.dot_dimension_numbers<[1], [0], [0], [1], [0, 0, 1, 1], [], []>, transpose_lhs_hint = false} : vector<128x128xf32>, vector<128x64xf32>, vector<128x64xf32> -> vector<128x64xf32>
    %swap3A_52 = arith.constant 0 : index
    %swap3A_53 = arith.constant 0 : index
    %swap3A_54 = vector.load %arg7[%swap3A_52, %swap3A_53] : memref<128x64xf32, #tpu.memory_space<vmem>>, vector<128x64xf32>
    tpu.vector_store %arg7[%swap3A_52, %swap3A_53], %dot_general3A_51 {strides = array<i32>} : memref<128x64xf32, #tpu.memory_space<vmem>>, vector<128x64xf32>,
    %get3A_55 = arith.constant 0 : index
    %get3A_56 = arith.constant 0 : index
    %get3A_57 = vector.load %arg4[%get3A_55, %get3A_56] : memref<1x128xf32, #tpu.memory_space<vmem>>, vector<1x128xf32>
    %reduce_sum3A_58 = vector.shape_cast %get3A_57 : vector<1x128xf32> to vector<1x1x128xf32>
    %reduce_sum3A_59 = arith.constant dense<0.000000e+00> : vector<1xf32>
    %reduce_sum3A_60 = vector.multi_reduction <add>, %reduce_sum3A_58, %reduce_sum3A_59 [1, 2] : vector<1x1x128xf32> to vector<1xf32>
    %reduce_sum3A_61 = vector.shape_cast %reduce_sum3A_60 : vector<1xf32> to vector<1x1x1xf32>
    %reduce_sum3A_62 = vector.extract %reduce_sum3A_61[0, 0, 0] : f32 from vector<1x1x1xf32>
    %add3A_63 = arith.constant 1.000000e-07 : f32
    %add3A_64 = arith.addf %reduce_sum3A_62, %add3A_63 : f32
    %div3A_65 = vector.broadcast %add3A_64 : f32 to vector<1x128xf32>
    %div3A_66 = arith.divf %get3A_57, %div3A_65 : vector<1x128xf32>
    %dot_general3A_67 = arith.constant dense<0.000000e+00> : vector<1x64xf32>
    %dot_general3A_68 = tpu.matmul %div3A_66, %tanh3A, %dot_general3A_67 {dimension_numbers = #tpu.dot_dimension_numbers<[1], [0], [0], [1], [0, 0, 1, 1], [], []>, transpose_lhs_hint = false} : vector<1x128xf32>, vector<128x64xf32>, vector<1x64xf32> -> vector<1x64xf32>
    %logistic3A = arith.negf %dot_general3A_68 : vector<1x64xf32>
    %logistic3A_69 = math.exp %logistic3A : vector<1x64xf32>
    %logistic3A_70 = arith.constant 1.000000e+00 : f32
    %logistic3A_71 = vector.broadcast %logistic3A_70 : f32 to vector<1x64xf32>
    %logistic3A_72 = arith.addf %logistic3A_71, %logistic3A_69 : vector<1x64xf32>
    %logistic3A_73 = arith.divf %logistic3A_71, %logistic3A_72 : vector<1x64xf32>
    %swap3A_74 = arith.constant 0 : index
    %swap3A_75 = arith.constant 0 : index
    %swap3A_76 = vector.load %arg8[%swap3A_74, %swap3A_75] : memref<1x64xf32, #tpu.memory_space<vmem>>, vector<1x64xf32>
    tpu.vector_store %arg8[%swap3A_74, %swap3A_75], %logistic3A_73 {strides = array<i32>} : memref<1x64xf32, #tpu.memory_space<vmem>>, vector<1x64xf32>,
    return
  }
}

</mosaic_0001>

<sc_bundles>
// kernel: gather_offload_async_start.1
scs
__scs_entry_jumppad:
0x0: {  	(pc) =	sbr.rel $0x88, $3  }
0x1: {  	(tag) =	ssettag $0x0;
	lr =	simm.s32 $0x1  }
0x2: {  	[smem:$0x3F96] =	sst lr;
	_ =	strace $0xD0000000  }
0x3: {  	_ = 	snop  }
0x4: {  	_ = 	snop  }
0x5: {  	_ = 	snop  }
0x6: {  	_ = 	snop  }
0x7: {  	_ = 	snop  }
__scs_overlays_trampoline_lowered:
0x8: {  	[smem:$0x3FA5] =	sst s0  }
0x9: {  	[smem:$0x3FA6] =	sst s1  }
0xa: {  	[smem:$0x3FA7] =	sst s2  }
0xb: {  	[smem:$0x3FA8] =	sst s3  }
0xc: {  	[smem:$0x3FA9] =	sst s4  }
0xd: {  	[smem:$0x3FAA] =	sst s5  }
0xe: {  	[smem:$0x3FAB] =	sst s6  }
0xf: {  	[smem:$0x3FAC] =	sst s7  }
0x10: {  	[smem:$0x3FAD] =	sst s8  }
0x11: {  	[smem:$0x3FAE] =	sst s9;
	s0 =	simm.s32 @!p0 $0x0  }
0x12: {  	s1 =	sld [smem:$0x3F94];
	s0 =	simm.s32 @p0 $0x1  }
0x13: {  	[smem:$0x3FAF] =	sst s0;
	s0 =	simm.s32 @!p1 $0x0  }
0x14: {  	s2 =	sld [smem:$0x3F93];
	s0 =	simm.s32 @p1 $0x1  }
0x15: {  	[smem:$0x3FB0] =	sst s0;
	s0 =	simm.s32 @!p2 $0x0  }
0x16: {  	s3 =	sld [smem:$0x3FDB];
	s0 =	simm.s32 @p2 $0x1  }
0x17: {  	s4 =	simm.s32 $0x1BF5;
	[smem:$0x3FB2] =	sst s0  }
0x18: {  	s0 =	sld [smem:$0x3F95];
	_ =	swait.ge [sflag:s4], $0x0  }
0x19: {  	s7 =	sld [smem:$0x3F96]  }
0x1a: {  	s8 =	sadd.s32 $0xFFFFE003, lr  }
0x1b: {  	s9 =	sadd.s32 $0xFFFFFEF7, lr;
	s5 =	simm.s32 $0xFFFFFFFF;
	p2 =	slt.u32 s8, $0xFFFFF086  }
0x1c: {  	p1 =	slt.u32 s9, $0xF7A;
	s5 =	simm.s32 @!p2 $0x0  }
0x1d: {  	s5 =	simm.s32 @p1 $0x1;
	p0 =	seq.s32 s7, s2  }
0x1e: {  	s7 =	smul.u32 @!p0 $0xF7A, s2;
	p2 =	seq.s32 @!p0 s5, $0x0  }
0x1f: {  	s9 =	smul.u32 $0xF7A, s1;
	s8 =	simm.s32 @!p0 $0x1BF5;
	p2 =	por !p2, p0  }
0x20: {  	[sflag:s8] =	ssyncset.s32 @!p0 $0xFFFFF086;
	s6 =	sadd.s32 @!p0 s3, s7;
	s7 =	simm.s32 @!p0 $0x108  }
0x21: {  	s3 =	sadd.s32 s3, s9;
	s6 =	sadd.s32 @!p0 $0x88, s6;
	s7 =	simm.s32 @p2 $0x1082  }
0x22: {  	[simem:s7], [sflag:s8] =	dma.local @!p0 [hbm:s6], $0xF7A  }
0x23: {  	s9 =	sor.u32 $0xD0000000, s2;
	s6 =	simm.s32 $0x108;
	_ =	swait.ge @!p0 [sflag:s8], $0x0  }
0x24: {  	s3 =	sadd.s32 $0x88, s3;
	s6 =	simm.s32 @!p1 $0x1082;
	[sflag:s4] =	ssyncset.s32 $0xFFFFF086  }
0x25: {  	[simem:s6], [sflag:s4] =	dma.local [hbm:s3], $0xF7A  }
0x26: {  	[smem:$0x3F96] =	sst s1;
	(tag) =	ssettag s2;
	_ =	strace s9  }
0x27: {  	s1 =	sld [smem:$0x3FA6]  }
0x28: {  	s2 =	sld [smem:$0x3FA7]  }
0x29: {  	s4 =	sld [smem:$0x3FA9]  }
0x2a: {  	p0 =	seq.s32 s5, $0x0;
	s5 =	sld [smem:$0x3FAA]  }
0x2b: {  	s6 =	sld [smem:$0x3FAB]  }
0x2c: {  	s7 =	sld [smem:$0x3FAC]  }
0x2d: {  	s3 =	simm.s32 $0x108;
	s8 =	sld [smem:$0x3FAD]  }
0x2e: {  	s3 =	simm.s32 @!p0 $0x1082;
	s9 =	sld [smem:$0x3FAE]  }
0x2f: {  	lr =	sadd.s32 s0, s3;
	s0 =	sld [smem:$0x3FA5]  }
0x30: {  	s3 =	sld [smem:$0x3FA8]  }
0x31: {  	[smem:$0x3FB1] =	sst s10  }
0x32: {  	s10 =	sld [smem:$0x3FAF];
	_ =	sdelay $0x3  }
0x33: {  	p0 =	seq.s32 s10, $0x1;
	s10 =	sld [smem:$0x3FB1];
	_ =	sdelay $0x3  }
0x34: {  	[smem:$0x3FB1] =	sst s10  }
0x35: {  	s10 =	sld [smem:$0x3FB0];
	_ =	sdelay $0x3  }
0x36: {  	p1 =	seq.s32 s10, $0x1;
	s10 =	sld [smem:$0x3FB1];
	_ =	sdelay $0x3  }
0x37: {  	[smem:$0x3FB1] =	sst s10  }
0x38: {  	s10 =	sld [smem:$0x3FB2]  }
0x39: {  	_ = 	snop;
	(pc) =	sbr.ind lr, $3  }
0x3a: {  	_ = 	snop  }
0x3b: {  	_ = 	snop  }
0x3c: {  	p2 =	seq.s32 s10, $0x1;
	s10 =	sld [smem:$0x3FB1]  }
0x3d: {  	_ =	shalt  }
0x3e: {  	_ =	shalt  }
0x3f: {  	_ =	shalt  }
0x40: {  	_ =	shalt  }
0x41: {  	_ =	shalt  }
0x42: {  	_ =	shalt  }
0x43: {  	_ =	shalt  }
0x44: {  	_ =	shalt  }
0x45: {  	_ =	shalt  }
0x46: {  	_ =	shalt  }
0x47: {  	_ =	shalt  }
0x48: {  	_ =	shalt  }
0x49: {  	_ =	shalt  }
0x4a: {  	_ =	shalt  }
0x4b: {  	_ =	shalt  }
0x4c: {  	_ =	shalt  }
0x4d: {  	_ =	shalt  }
0x4e: {  	_ =	shalt  }
0x4f: {  	_ =	shalt  }
0x50: {  	_ =	shalt  }
0x51: {  	_ =	shalt  }
0x52: {  	_ =	shalt  }
0x53: {  	_ =	shalt  }
0x54: {  	_ =	shalt  }
0x55: {  	_ =	shalt  }
0x56: {  	_ =	shalt  }
0x57: {  	_ =	shalt  }
0x58: {  	_ =	shalt  }
0x59: {  	_ =	shalt  }
0x5a: {  	_ =	shalt  }
0x5b: {  	_ =	shalt  }
0x5c: {  	_ =	shalt  }
0x5d: {  	_ =	shalt  }
0x5e: {  	_ =	shalt  }
0x5f: {  	_ =	shalt  }
0x60: {  	_ =	shalt  }
0x61: {  	_ =	shalt  }
0x62: {  	_ =	shalt  }
0x63: {  	_ =	shalt  }
0x64: {  	_ =	shalt  }
0x65: {  	_ =	shalt  }
0x66: {  	_ =	shalt  }
0x67: {  	_ =	shalt  }
0x68: {  	_ =	shalt  }
0x69: {  	_ =	shalt  }
0x6a: {  	_ =	shalt  }
0x6b: {  	_ =	shalt  }
0x6c: {  	_ =	shalt  }
0x6d: {  	_ =	shalt  }
0x6e: {  	_ =	shalt  }
0x6f: {  	_ =	shalt  }
0x70: {  	_ =	shalt  }
0x71: {  	_ =	shalt  }
0x72: {  	_ =	shalt  }
0x73: {  	_ =	shalt  }
0x74: {  	_ =	shalt  }
0x75: {  	_ =	shalt  }
0x76: {  	_ =	shalt  }
0x77: {  	_ =	shalt  }
0x78: {  	_ =	shalt  }
0x79: {  	_ =	shalt  }
0x7a: {  	_ =	shalt  }
0x7b: {  	_ =	shalt  }
0x7c: {  	_ =	shalt  }
0x7d: {  	_ =	shalt  }
0x7e: {  	_ =	shalt  }
0x7f: {  	_ =	shalt  }
0x80: {  	_ =	shalt  }
0x81: {  	_ =	shalt  }
0x82: {  	_ =	shalt  }
0x83: {  	_ =	shalt  }
0x84: {  	_ =	shalt  }
0x85: {  	_ =	shalt  }
0x86: {  	_ =	shalt  }
0x87: {  	_ =	shalt  }
.Lfunc_end0:
.L_simem_size_0:
called_computation.1_lowered:
.L_overlay_start_0:
0x88: {  	s2 =	sld [smem:$0x3FD9]  }
0x89: {  	s3 =	sld [smem:$0x3FFE];
	_ =	sdelay $0x1  }
0x8a: {  	s1 =	srdreg.scid  }
0x8b: {  	s0 =	sand.u32 $0x1, s1  }
0x8c: {  	s15 =	sshll.u32 s0, $0xA;
	s2 =	sadd.s32 s3, s2  }
0x8d: {  	s2 =	sadd.s32 s2, s15  }
0x8e: {  	[smem:$0x3FBD] =	sst s2  }
0x8f: {  	_ = 	snop  }
0x90: {  	s2 =	sld [smem:$0x3FD0];
	_ =	sdelay $0x2  }
0x91: {  	s4 =	simm.s32 $0xA;
	s5 =	simm.s32 $0x10;
	s16 =	sld [smem:$0x3FC8]  }
0x92: {  	[smem:s5], [sflag:s4] =	dma.local [hbm:s2], $0x1  }
0x93: {  	_ =	swait.eq [sflag:s4], $0x1  }
0x94: {  	[sflag:s4] =	ssyncset.done $0x0  }
0x95: {  	s17 =	sld [smem:$0x10];
	[sflag:s4] =	ssyncadd.s32 $0xFFFFFFFF  }
0x96: {  	s18 =	sld [smem:$0x12];
	(tm) =	ssettm $0x1  }
0x97: {  	s19 =	sld [smem:$0x3FFB];
	_ =	sdelay $0x3  }
0x98: {  	_ =	strace s19  }
0x99: {  	s5 =	sld [smem:$0x3FFC];
	_ =	sdelay $0x3  }
0x9a: {  	_ =	strace s5  }
0x9b: {  	s5 =	sld [smem:$0x3FFD];
	_ =	sdelay $0x3  }
0x9c: {  	_ =	strace s5  }
0x9d: {  	_ =	strace $0x8FFFFFFF  }
0x9e: {  	s20 =	sld [smem:$0x3FDB];
	_ =	sdelay $0x1  }
0x9f: {  	s6 =	simm.s32 $_scs_section_size  }
0xa0: {  	s7 =	simm.s32 $_size__tile_overlayer_lowered;
	s8 =	simm.s32 $_tile_overlayer_lowered  }
0xa1: {  	s23 =	simm.s32 $0x1BFF;
	s22 =	sshll.u32 s8, $0x1;
	s5 =	sadd.s32 s6, s20  }
0xa2: {  	s9 =	simm.s32 $0x0;
	s21 =	sshll.u32 s7, $0x1;
	s7 =	sadd.s32 s22, s5  }
0xa3: {  	[timem:s9], [sflag:s23] =	dma.local [hbm:s7], s21  }
0xa4: {  	_ =	swait.ge [sflag:s23], s21  }
0xa5: {  	s6 =	ssub.s32 $0x0, s21;
	[sflag:s23] =	ssyncset.done $0x0  }
0xa6: {  	[sflag:s23] =	ssyncadd.s32 s6;
	_ =	sdelay $0x1  }
0xa7: {  	s24 =	simm.s32 $0x1B8B  }
0xa8: {  	_ =	swait.ge [sflag:s24], $0x1  }
0xa9: {  	[sflag:s24] =	ssyncset.done $0x0  }
0xaa: {  	s25 =	simm.s32 $0x1B8E;
	[sflag:s24] =	ssyncadd.s32 $0xFFFFFFFF  }
0xab: {  	s26 =	simm.s32 $execute0_lowered;
	[smem:$0x3FD2] =	sst s25  }
0xac: {  	s6 =	sshll.u32 s26, $0x1;
	_ =	strace $0x8000004C;
	[dreg:$0x1] =	wrdreg $0xFFFFFFFF  }
0xad: {  	s28 =	simm.s32 $_size_execute0_lowered;
	s5 =	sadd.s32 s5, s6;
	[dreg:$0x0] =	wrdreg $0x0  }
0xae: {  	s6 =	sshll.u32 s28, $0x1;
	[dreg:$0x2] =	wrdreg s5  }
0xaf: {  	[dreg:$0x3] =	wrdreg s6  }
0xb0: {  	[dreg:$0x4] =	wrdreg $0xC0  }
0xb1: {  	_ =	task [dreg:s9], $0x5FFFF  }
0xb2: {  	[dreg:$0x1] =	wrdreg $0xFFFFFFFF  }
0xb3: {  	[dreg:$0x0] =	wrdreg $0x60  }
0xb4: {  	[dreg:$0x2] =	wrdreg s16  }
0xb5: {  	[dreg:$0x3] =	wrdreg s17  }
0xb6: {  	[dreg:$0x4] =	wrdreg s18  }
0xb7: {  	[dreg:$0x5] =	wrdreg $0x9  }
0xb8: {  	_ =	task.clear_ibuf [dreg:s9], $0x6FFFF;
	_ =	strace $0x9000004C  }
0xb9: {  	s29 =	simm.s32 $0x9;
	_ =	strace $0x8000004E  }
0xba: {  	_ =	swait.ge [sflag:s29], $0x1  }
0xbb: {  	[sflag:s29] =	ssyncadd.s32 $0xFFFFFFFF  }
0xbc: {  	_ =	strace $0x9000004E  }
0xbd: {  	_ =	sfence  }
0xbe: {  	s30 =	sld [smem:$0x0];
	_ =	sdelay $0x2  }
0xbf: {  	s31 =	sshll.u32 s1, $0xD;
	s1 =	sshrl.u32 s1, $0x2  }
0xc0: {  	s3 =	sand.u32 $0x4000, s31;
	s1 =	sadd.s32 s1, s30  }
0xc1: {  	s0 =	sor.u32 s3, s0;
	s1 =	sshll.u32 s1, $0x11  }
0xc2: {  	s0 =	sor.u32 s1, s0  }
0xc3: {  	s0 =	sadd.s32 $0x8F2B, s0  }
0xc4: {  	[sflag:s0] =	ssyncadd.remote.s32 $0x1  }
0xc5: {  	_ =	sfence.sel $0xFFFF  }
0xc6: {  	[dreg:$0x0] =	wrdreg $0xFFFFFFFF;
	(pc) =	sbr.abs _section_cstart, $3  }
0xc7: {  	[dreg:$0x1] =	wrdreg $0xFFFFFFFF  }
0xc8: {  	_ =	task.clear_ibuf [dreg:s9], $0x2FFFF;
	_ =	strace $0x9FFFFFFF  }
0xc9: {  	(tm) =	ssettm $0x7FFFFFFF  }
tec
execute0_lowered:
.L_overlay_start_1:
0x0: {  	(tag) =	ssettag $0x1  }
0x1: {  	s2 =	rddreg [dreg:$0x0]  }
0x2: {  	s3 =	rddreg [dreg:$0x1];
	s0 =	stileid.u32  }
0x3: {  	s1 =	srdreg.scid;
	s4 =	rddreg [dreg:$0x2];
	s9 =	simm.s32 $0x1  }
0x4: {  	s10 =	simm.s32 $0x3;
	s5 =	sand.u32 $0x1, s1;
	s6 =	sshll.u32 s0, $0x1  }
0x5: {  	s13 =	simm.s32 $0x0;
	s12 =	simm.s32 $0x0;
	s7 =	sor.u32 s6, s5  }
0x6: {  	s1 =	rddreg [dreg:$0x3];
	_ =	strace $0x8000004D;
	s5 =	smul.u32 $0x4E20, s7  }
0x7: {  	s6 =	simm.s32 $0x1;
	p0 =	slt.u32 s7, $0x9;
	s7 =	simm.s32 $0x9C400  }
.Ltmp0:
0x8: {  	s7 =	simm.s32 @!p0 $0x0;
	s8 =	ssub.s32 $0xC3500, s5;
	(pc) =	sbr.rel .LBB2_1-.Ltmp0, $4  }
0x9: {  	s9 =	simm.s32 @!p0 $0x0;
	p0 =	sne.s32 s8, s7;
	s8 =	simm.s32 $0x1  }
0xa: {  	[sflag:s6] =	ssyncpa.u1 $0x0;
	s7 =	simm.s32 $0x2;
	s8 =	simm.s32 @!p0 $0x0  }
0xb: {  	s11 =	smov.u32 s5;
	[sflag:s7] =	ssyncpa.u1 $0x0;
	s8 =	sadd.s32 s9, s8  }
0xc: {  	vm0 =	vmmov $0xffff;
	[sflag:s10] =	ssyncpa.u1 $0x0;
	s10 =	simm.s32 $0x0;
	s9 =	sadd.s32 $0x1, s8  }
.LBB2_4:
0xd: {  	v2 =	vnsel vm1, $0x0, v2  }
0xe: {  	vm1 =	vgt.s32 v0, $0x0;
	v2 =	vmin.u32 v2, $0xC34FF  }
0xf: {  	v0 =	vnsel vm1, $0x0, v0  }
0x10: {  	v0 =	vmin.u32 v0, $0xC34FF  }
0x11: {  	[tilespmem:s18], [sflag:$0x1] =	stream.indirect_vreg.gather [hbm4b:s2+s10], $0x1, v1, vm0, $0x4038;
	[tilespmem:$0x13880] =	vst v63  }
0x12: {  	(ifvalue) =	ssetifvalue $0x7FFFFFFF  }
0x13: {  	[tilespmem:s15], [sflag:$0x1] =	stream.indirect_vreg.gather [hbm4b:s2+s10], $0x1, v2, vm0, $0x4038;
	[tilespmem:$0x13880] =	vst v63  }
0x14: {  	s29 =	sadd.s32 $0x10, s15;
	(ifvalue) =	ssetifvalue $0x7FFFFFFF  }
0x15: {  	[tilespmem:s29], [sflag:$0x1] =	stream.indirect_vreg.gather [hbm4b:s2+s10], $0x1, v0, vm0, $0x4038;
	[tilespmem:$0x13880] =	vst v63  }
0x16: {  	_ =	swait.ge [sflag:s6], $0x4E20  }
0x17: {  	s30 =	sshrl.u32 s13, $0x3;
	[sflag:s6] =	ssyncset.done $0x0  }
0x18: {  	s31 =	sand.u32 $0x7, s13;
	s15 =	sadd.s32 s4, s30;
	[sflag:s6] =	ssyncadd.s32 $0xFFFFB1E0  }
0x19: {  	[hbm4b:s15+s31] =	stream.linear.scatter [tilespmem:s14], [sflag:$0x3], $0x4E20, $0x38;
	[tilespmem:$0x13880] =	vst v63  }
.LBB2_5:
0x1a: {  	s15 =	sadd.s32 $0x9C400, s11  }
0x1b: {  	p1 =	sgt.s32 s15, $0xC34FF  }
0x1c: {  	s15 =	smov.u32 @p1 s5;
	p1 =	sne.s32 s12, s9  }
.Ltmp1:
0x1d: {  	p0 =	slt.u32 s12, $0x2;
	(pc) =	sbr.rel @!p1 .LBB2_6-.Ltmp1, $4  }
0x1e: {  	s14 =	simm.s32 @!p0 $0x3  }
0x1f: {  	_ =	swait.ge @!p0 [sflag:s14], $0x4E20  }
0x20: {  	s16 =	sadd.s32 $0x1, s12;
	s13 =	smov.u32 s11;
	[sflag:s14] =	ssyncset.done @!p0 $0x0  }
0x21: {  	s12 =	smov.u32 s16;
	s11 =	smov.u32 s15;
	[sflag:s14] =	ssyncadd.s32 @!p0 $0xFFFFB1E0  }
.LBB2_1:
0x22: {  	p0 =	sge.u32 s12, s8  }
0x23: {  	s14 =	sxor.u32 @!p0 $0x1, s12  }
0x24: {  	s14 =	smul.u32 @!p0 $0x13880, s14  }
0x25: {  	s31 =	sadd.s32 $0xFFFFFFFF, s12;
	s15 =	sshrl.u32 @!p0 s11, $0x3  }
0x26: {  	s16 =	sand.u32 @!p0 $0x7, s11;
	s15 =	sadd.s32 @!p0 s3, s15;
	s14 =	sshra.s32 @!p0 s14, $0x2  }
0x27: {  	[tilespmem:s14], [sflag:$0x2] =	stream.linear.gather @!p0 [hbm4b:s15+s16], $0x4E20, $0x38;
	[tilespmem:$0x13880] =	vst v63  }
0x28: {  	p0 =	sge.u32 s31, s8  }
.Ltmp2:
0x29: {  	_ = 	snop;
	(pc) =	sbr.rel @p0 .LBB2_5-.Ltmp2, $1  }
0x2a: {  	_ =	sdelay $0x3  }
0x2b: {  	s14 =	sand.u32 $0x1, s12  }
0x2c: {  	_ =	swait.ge [sflag:s7], $0x4E20;
	p0 =	seq.s32 s14, $0x1;
	s14 =	simm.s32 $0x4E20  }
0x2d: {  	[sflag:s7] =	ssyncset.done $0x0;
	s14 =	simm.s32 @!p0 $0x0  }
0x2e: {  	[sflag:s7] =	ssyncadd.s32 $0xFFFFB1E0;
	(ifvalue) =	ssetifvalue $0x7FFFFFFF;
	v0 =	vld.msk [tilespmem:s14+$0x0 ss:$0x1], $0xffff;
	_ =	sdelay $0x4  }
0x2f: {  	s15 =	sadd.s32 $0x10, s14;
	vm1 =	vgt.s32 v0, $0x0  }
0x30: {  	v2 =	vld.msk [tilespmem:s15+$0x0 ss:$0x1], $0xffff;
	v1 =	vnsel vm1, $0x0, v0  }
0x31: {  	v1 =	vmin.u32 v1, $0xC34FF;
	_ =	sdelay $0x2  }
0x32: {  	s17 =	simm.s32 $0x20;
	s14 =	sadd.s32 $0x9C40, s14;
	s16 =	sadd.s32 $0x10, s15  }
0x33: {  	s15 =	sadd.s32 $0x10, s14;
	s18 =	smov.u32 s14;
	v0 =	vld.msk [tilespmem:s16+$0x0 ss:$0x1], $0xffff;
	vm1 =	vgt.s32 v2, $0x0;
	(ifvalue) =	ssetifvalue $0x7FFFFFFF  }
.LBB2_3:
0x34: {  	[tilespmem:s18], [sflag:$0x1] =	stream.indirect_vreg.gather [hbm4b:s2+s10], $0x1, v1, vm0, $0x4038;
	[tilespmem:$0x13880] =	vst v63  }
0x35: {  	s17 =	sadd.s32 $0x10, s17  }
0x36: {  	v2 =	vnsel vm1, $0x0, v2;
	p0 =	slt.u32 s17, $0x4E10  }
.Ltmp3:
0x37: {  	s18 =	smov.u32 s15;
	v1 =	vmin.u32 v2, $0xC34FF;
	(pc) =	sbr.rel @p0 .LBB2_3-.Ltmp3, $3  }
0x38: {  	_ =	sdelay $0x1  }
0x39: {  	s16 =	sadd.s32 $0x10, s16  }
0x3a: {  	vm1 =	vgt.s32 v0, $0x0;
	s15 =	sadd.s32 $0x10, s15;
	v2 =	vmov v0;
	(ifvalue) =	ssetifvalue $0x7FFFFFFF;
	v0 =	vld.msk [tilespmem:s16+$0x0 ss:$0x1], $0xffff  }
.Ltmp4:
0x3b: {  	_ = 	snop;
	(pc) =	sbr.rel .LBB2_4-.Ltmp4, $1  }
0x3c: {  	_ =	sdelay $0x3  }
.LBB2_6:
0x3d: {  	_ =	sfence.sel $0x180000  }
0x3e: {  	s2 =	simm.s32 $0x2;
	[bflag:$0x0] =	sbarrier.arrive $0xFFFF  }
0x3f: {  	s30 =	simm.s32 $0x3;
	[sflag:s2] =	ssyncpa.u1 $0x1  }
0x40: {  	s31 =	simm.s32 $0x1;
	[sflag:s30] =	ssyncpa.u1 $0x1  }
0x41: {  	[sflag:s31] =	ssyncpa.u1 $0x1  }
0x42: {  	p0 =	sne.s32 s0, $0x0;
	_ =	strace $0x9000004D  }
0x43: {  	s0 =	sadd.s32 @!p0 $0x100000, s1;
	[bflag:$0x2] =	sbarrier.arrive $0xFFFF  }
0x44: {  	[sflag:s0] =	ssyncadd.tile.s32 @!p0 $0x1;
	_ =	shalt  }
.Lfunc_end2:
_tile_overlayer_lowered:
.L_overlay_start_2:
0x45: {  	(tag) =	ssettag $0x2  }
0x46: {  	s0 =	rddreg [dreg:$0x0];
	s2 =	stileid.u32  }
0x47: {  	s1 =	rddreg [dreg:$0x1];
	p0 =	sne.s32 s2, $0x0  }
0x48: {  	s3 =	rddreg [dreg:$0x2];
	[bflag:$0x3] =	sbarrier.arrive $0xFFFF;
	s2 =	simm.s32 @!p0 $0x1C01  }
0x49: {  	[timem:s3], [sflag:s2] =	dma.local @!p0 [hbm:s0], s1  }
0x4a: {  	s0 =	simm.s32 @!p0 $0x1  }
0x4b: {  	_ =	swait.ge @!p0 [sflag:s0], s1  }
0x4c: {  	s1 =	ssub.s32 @!p0 $0x0, s1;
	[sflag:s0] =	ssyncset.done @!p0 $0x0  }
0x4d: {  	[sflag:s0] =	ssyncadd.s32 @!p0 s1  }
0x4e: {  	[bflag:$0x3] =	sbarrier.arrive $0xFFFF  }
0x4f: {  	_ =	shalt  }

// kernel: gather_offload_async_start.2
scs
__scs_entry_jumppad:
0x0: {  	(pc) =	sbr.rel $0x88, $3  }
0x1: {  	(tag) =	ssettag $0x0;
	lr =	simm.s32 $0x1  }
0x2: {  	[smem:$0x3F96] =	sst lr;
	_ =	strace $0xD0000000  }
0x3: {  	_ = 	snop  }
0x4: {  	_ = 	snop  }
0x5: {  	_ = 	snop  }
0x6: {  	_ = 	snop  }
0x7: {  	_ = 	snop  }
__scs_overlays_trampoline_lowered:
0x8: {  	[smem:$0x3FA5] =	sst s0  }
0x9: {  	[smem:$0x3FA6] =	sst s1  }
0xa: {  	[smem:$0x3FA7] =	sst s2  }
0xb: {  	[smem:$0x3FA8] =	sst s3  }
0xc: {  	[smem:$0x3FA9] =	sst s4  }
0xd: {  	[smem:$0x3FAA] =	sst s5  }
0xe: {  	[smem:$0x3FAB] =	sst s6  }
0xf: {  	[smem:$0x3FAC] =	sst s7  }
0x10: {  	[smem:$0x3FAD] =	sst s8  }
0x11: {  	[smem:$0x3FAE] =	sst s9;
	s0 =	simm.s32 @!p0 $0x0  }
0x12: {  	s1 =	sld [smem:$0x3F94];
	s0 =	simm.s32 @p0 $0x1  }
0x13: {  	[smem:$0x3FAF] =	sst s0;
	s0 =	simm.s32 @!p1 $0x0  }
0x14: {  	s2 =	sld [smem:$0x3F93];
	s0 =	simm.s32 @p1 $0x1  }
0x15: {  	[smem:$0x3FB0] =	sst s0;
	s0 =	simm.s32 @!p2 $0x0  }
0x16: {  	s3 =	sld [smem:$0x3FDB];
	s0 =	simm.s32 @p2 $0x1  }
0x17: {  	s4 =	simm.s32 $0x1BF5;
	[smem:$0x3FB2] =	sst s0  }
0x18: {  	s0 =	sld [smem:$0x3F95];
	_ =	swait.ge [sflag:s4], $0x0  }
0x19: {  	s7 =	sld [smem:$0x3F96]  }
0x1a: {  	s8 =	sadd.s32 $0xFFFFE003, lr  }
0x1b: {  	s9 =	sadd.s32 $0xFFFFFEF7, lr;
	s5 =	simm.s32 $0xFFFFFFFF;
	p2 =	slt.u32 s8, $0xFFFFF086  }
0x1c: {  	p1 =	slt.u32 s9, $0xF7A;
	s5 =	simm.s32 @!p2 $0x0  }
0x1d: {  	s5 =	simm.s32 @p1 $0x1;
	p0 =	seq.s32 s7, s2  }
0x1e: {  	s7 =	smul.u32 @!p0 $0xF7A, s2;
	p2 =	seq.s32 @!p0 s5, $0x0  }
0x1f: {  	s9 =	smul.u32 $0xF7A, s1;
	s8 =	simm.s32 @!p0 $0x1BF5;
	p2 =	por !p2, p0  }
0x20: {  	[sflag:s8] =	ssyncset.s32 @!p0 $0xFFFFF086;
	s6 =	sadd.s32 @!p0 s3, s7;
	s7 =	simm.s32 @!p0 $0x108  }
0x21: {  	s3 =	sadd.s32 s3, s9;
	s6 =	sadd.s32 @!p0 $0x88, s6;
	s7 =	simm.s32 @p2 $0x1082  }
0x22: {  	[simem:s7], [sflag:s8] =	dma.local @!p0 [hbm:s6], $0xF7A  }
0x23: {  	s9 =	sor.u32 $0xD0000000, s2;
	s6 =	simm.s32 $0x108;
	_ =	swait.ge @!p0 [sflag:s8], $0x0  }
0x24: {  	s3 =	sadd.s32 $0x88, s3;
	s6 =	simm.s32 @!p1 $0x1082;
	[sflag:s4] =	ssyncset.s32 $0xFFFFF086  }
0x25: {  	[simem:s6], [sflag:s4] =	dma.local [hbm:s3], $0xF7A  }
0x26: {  	[smem:$0x3F96] =	sst s1;
	(tag) =	ssettag s2;
	_ =	strace s9  }
0x27: {  	s1 =	sld [smem:$0x3FA6]  }
0x28: {  	s2 =	sld [smem:$0x3FA7]  }
0x29: {  	s4 =	sld [smem:$0x3FA9]  }
0x2a: {  	p0 =	seq.s32 s5, $0x0;
	s5 =	sld [smem:$0x3FAA]  }
0x2b: {  	s6 =	sld [smem:$0x3FAB]  }
0x2c: {  	s7 =	sld [smem:$0x3FAC]  }
0x2d: {  	s3 =	simm.s32 $0x108;
	s8 =	sld [smem:$0x3FAD]  }
0x2e: {  	s3 =	simm.s32 @!p0 $0x1082;
	s9 =	sld [smem:$0x3FAE]  }
0x2f: {  	lr =	sadd.s32 s0, s3;
	s0 =	sld [smem:$0x3FA5]  }
0x30: {  	s3 =	sld [smem:$0x3FA8]  }
0x31: {  	[smem:$0x3FB1] =	sst s10  }
0x32: {  	s10 =	sld [smem:$0x3FAF];
	_ =	sdelay $0x3  }
0x33: {  	p0 =	seq.s32 s10, $0x1;
	s10 =	sld [smem:$0x3FB1];
	_ =	sdelay $0x3  }
0x34: {  	[smem:$0x3FB1] =	sst s10  }
0x35: {  	s10 =	sld [smem:$0x3FB0];
	_ =	sdelay $0x3  }
0x36: {  	p1 =	seq.s32 s10, $0x1;
	s10 =	sld [smem:$0x3FB1];
	_ =	sdelay $0x3  }
0x37: {  	[smem:$0x3FB1] =	sst s10  }
0x38: {  	s10 =	sld [smem:$0x3FB2]  }
0x39: {  	_ = 	snop;
	(pc) =	sbr.ind lr, $3  }
0x3a: {  	_ = 	snop  }
0x3b: {  	_ = 	snop  }
0x3c: {  	p2 =	seq.s32 s10, $0x1;
	s10 =	sld [smem:$0x3FB1]  }
0x3d: {  	_ =	shalt  }
0x3e: {  	_ =	shalt  }
0x3f: {  	_ =	shalt  }
0x40: {  	_ =	shalt  }
0x41: {  	_ =	shalt  }
0x42: {  	_ =	shalt  }
0x43: {  	_ =	shalt  }
0x44: {  	_ =	shalt  }
0x45: {  	_ =	shalt  }
0x46: {  	_ =	shalt  }
0x47: {  	_ =	shalt  }
0x48: {  	_ =	shalt  }
0x49: {  	_ =	shalt  }
0x4a: {  	_ =	shalt  }
0x4b: {  	_ =	shalt  }
0x4c: {  	_ =	shalt  }
0x4d: {  	_ =	shalt  }
0x4e: {  	_ =	shalt  }
0x4f: {  	_ =	shalt  }
0x50: {  	_ =	shalt  }
0x51: {  	_ =	shalt  }
0x52: {  	_ =	shalt  }
0x53: {  	_ =	shalt  }
0x54: {  	_ =	shalt  }
0x55: {  	_ =	shalt  }
0x56: {  	_ =	shalt  }
0x57: {  	_ =	shalt  }
0x58: {  	_ =	shalt  }
0x59: {  	_ =	shalt  }
0x5a: {  	_ =	shalt  }
0x5b: {  	_ =	shalt  }
0x5c: {  	_ =	shalt  }
0x5d: {  	_ =	shalt  }
0x5e: {  	_ =	shalt  }
0x5f: {  	_ =	shalt  }
0x60: {  	_ =	shalt  }
0x61: {  	_ =	shalt  }
0x62: {  	_ =	shalt  }
0x63: {  	_ =	shalt  }
0x64: {  	_ =	shalt  }
0x65: {  	_ =	shalt  }
0x66: {  	_ =	shalt  }
0x67: {  	_ =	shalt  }
0x68: {  	_ =	shalt  }
0x69: {  	_ =	shalt  }
0x6a: {  	_ =	shalt  }
0x6b: {  	_ =	shalt  }
0x6c: {  	_ =	shalt  }
0x6d: {  	_ =	shalt  }
0x6e: {  	_ =	shalt  }
0x6f: {  	_ =	shalt  }
0x70: {  	_ =	shalt  }
0x71: {  	_ =	shalt  }
0x72: {  	_ =	shalt  }
0x73: {  	_ =	shalt  }
0x74: {  	_ =	shalt  }
0x75: {  	_ =	shalt  }
0x76: {  	_ =	shalt  }
0x77: {  	_ =	shalt  }
0x78: {  	_ =	shalt  }
0x79: {  	_ =	shalt  }
0x7a: {  	_ =	shalt  }
0x7b: {  	_ =	shalt  }
0x7c: {  	_ =	shalt  }
0x7d: {  	_ =	shalt  }
0x7e: {  	_ =	shalt  }
0x7f: {  	_ =	shalt  }
0x80: {  	_ =	shalt  }
0x81: {  	_ =	shalt  }
0x82: {  	_ =	shalt  }
0x83: {  	_ =	shalt  }
0x84: {  	_ =	shalt  }
0x85: {  	_ =	shalt  }
0x86: {  	_ =	shalt  }
0x87: {  	_ =	shalt  }
.Lfunc_end0:
.L_simem_size_0:
called_computation.2_lowered:
.L_overlay_start_0:
0x88: {  	s2 =	sld [smem:$0x3FD9]  }
0x89: {  	s3 =	sld [smem:$0x3FFE];
	_ =	sdelay $0x1  }
0x8a: {  	s1 =	srdreg.scid  }
0x8b: {  	s0 =	sand.u32 $0x1, s1  }
0x8c: {  	s14 =	sshll.u32 s0, $0xA;
	s2 =	sadd.s32 s3, s2  }
0x8d: {  	s2 =	sadd.s32 s2, s14  }
0x8e: {  	[smem:$0x3FBD] =	sst s2  }
0x8f: {  	_ = 	snop  }
0x90: {  	s2 =	sld [smem:$0x3FD0];
	_ =	sdelay $0x2  }
0x91: {  	s15 =	simm.s32 $0xA;
	s4 =	simm.s32 $0x10  }
0x92: {  	[smem:s4], [sflag:s15] =	dma.local [hbm:s2], $0x1  }
0x93: {  	_ =	swait.eq [sflag:s15], $0x1  }
0x94: {  	[sflag:s15] =	ssyncset.done $0x0  }
0x95: {  	s16 =	sld [smem:$0x10];
	[sflag:s15] =	ssyncadd.s32 $0xFFFFFFFF  }
0x96: {  	s17 =	sld [smem:$0x12];
	(tm) =	ssettm $0x1  }
0x97: {  	s18 =	sld [smem:$0x3FFB];
	_ =	sdelay $0x3  }
0x98: {  	_ =	strace s18  }
0x99: {  	s4 =	sld [smem:$0x3FFC];
	_ =	sdelay $0x3  }
0x9a: {  	_ =	strace s4  }
0x9b: {  	s4 =	sld [smem:$0x3FFD];
	_ =	sdelay $0x3  }
0x9c: {  	_ =	strace s4  }
0x9d: {  	_ =	strace $0x8FFFFFFF  }
0x9e: {  	s19 =	sld [smem:$0x3FDB];
	_ =	sdelay $0x1  }
0x9f: {  	s5 =	simm.s32 $_scs_section_size  }
0xa0: {  	s6 =	simm.s32 $_size__tile_overlayer_lowered;
	s7 =	simm.s32 $_tile_overlayer_lowered  }
0xa1: {  	s22 =	simm.s32 $0x1BFF;
	s21 =	sshll.u32 s7, $0x1;
	s4 =	sadd.s32 s5, s19  }
0xa2: {  	s8 =	simm.s32 $0x0;
	s20 =	sshll.u32 s6, $0x1;
	s6 =	sadd.s32 s21, s4  }
0xa3: {  	[timem:s8], [sflag:s22] =	dma.local [hbm:s6], s20  }
0xa4: {  	_ =	swait.ge [sflag:s22], s20  }
0xa5: {  	s5 =	ssub.s32 $0x0, s20;
	[sflag:s22] =	ssyncset.done $0x0  }
0xa6: {  	[sflag:s22] =	ssyncadd.s32 s5;
	_ =	sdelay $0x1  }
0xa7: {  	s23 =	simm.s32 $0x1B8B  }
0xa8: {  	_ =	swait.ge [sflag:s23], $0x1  }
0xa9: {  	[sflag:s23] =	ssyncset.done $0x0  }
0xaa: {  	s25 =	simm.s32 $0x1B8E;
	s24 =	sld [smem:$0x3FFE];
	[sflag:s23] =	ssyncadd.s32 $0xFFFFFFFF  }
0xab: {  	s26 =	simm.s32 $execute0_lowered;
	[smem:$0x3FD2] =	sst s25  }
0xac: {  	s6 =	sshll.u32 s26, $0x1;
	_ =	strace $0x80000049;
	[dreg:$0x1] =	wrdreg $0xFFFFFFFF  }
0xad: {  	s28 =	simm.s32 $_size_execute0_lowered;
	s4 =	sadd.s32 s4, s6;
	[dreg:$0x0] =	wrdreg $0x0  }
0xae: {  	s6 =	sshll.u32 s28, $0x1;
	[dreg:$0x2] =	wrdreg s4  }
0xaf: {  	[dreg:$0x3] =	wrdreg s6  }
0xb0: {  	[dreg:$0x4] =	wrdreg $0xC0  }
0xb1: {  	_ =	task [dreg:s8], $0x5FFFF  }
0xb2: {  	[dreg:$0x1] =	wrdreg $0xFFFFFFFF  }
0xb3: {  	[dreg:$0x0] =	wrdreg $0x60  }
0xb4: {  	[dreg:$0x2] =	wrdreg s17  }
0xb5: {  	[dreg:$0x3] =	wrdreg s16  }
0xb6: {  	[dreg:$0x4] =	wrdreg s24  }
0xb7: {  	[dreg:$0x5] =	wrdreg $0x9  }
0xb8: {  	_ =	task.clear_ibuf [dreg:s8], $0x6FFFF;
	_ =	strace $0x90000049  }
0xb9: {  	s29 =	simm.s32 $0x9;
	_ =	strace $0x8000004B  }
0xba: {  	_ =	swait.ge [sflag:s29], $0x1  }
0xbb: {  	[sflag:s29] =	ssyncadd.s32 $0xFFFFFFFF  }
0xbc: {  	_ =	strace $0x9000004B  }
0xbd: {  	_ =	sfence  }
0xbe: {  	s30 =	sld [smem:$0x0];
	_ =	sdelay $0x2  }
0xbf: {  	s31 =	sshll.u32 s1, $0xD;
	s1 =	sshrl.u32 s1, $0x2  }
0xc0: {  	s3 =	sand.u32 $0x4000, s31;
	s1 =	sadd.s32 s1, s30  }
0xc1: {  	s0 =	sor.u32 s3, s0;
	s1 =	sshll.u32 s1, $0x11  }
0xc2: {  	s0 =	sor.u32 s1, s0  }
0xc3: {  	s0 =	sadd.s32 $0x8F2B, s0  }
0xc4: {  	[sflag:s0] =	ssyncadd.remote.s32 $0x1  }
0xc5: {  	_ =	sfence.sel $0xFFFF  }
0xc6: {  	[dreg:$0x0] =	wrdreg $0xFFFFFFFF;
	(pc) =	sbr.abs _section_cstart, $3  }
0xc7: {  	[dreg:$0x1] =	wrdreg $0xFFFFFFFF  }
0xc8: {  	_ =	task.clear_ibuf [dreg:s8], $0x2FFFF;
	_ =	strace $0x9FFFFFFF  }
0xc9: {  	(tm) =	ssettm $0x7FFFFFFF  }
tec
execute0_lowered:
.L_overlay_start_1:
0x0: {  	(tag) =	ssettag $0x1  }
0x1: {  	s2 =	rddreg [dreg:$0x0]  }
0x2: {  	s3 =	rddreg [dreg:$0x1]  }
0x3: {  	s0 =	stileid.u32;
	s1 =	srdreg.scid  }
0x4: {  	s8 =	rddreg [dreg:$0x2];
	s9 =	simm.s32 $0x1;
	s10 =	simm.s32 $0x3  }
0x5: {  	s13 =	simm.s32 $0x0;
	s4 =	sand.u32 $0x1, s1;
	s5 =	sshll.u32 s0, $0x1  }
0x6: {  	s12 =	simm.s32 $0x0;
	s1 =	rddreg [dreg:$0x3];
	s6 =	sor.u32 s5, s4  }
0x7: {  	_ =	strace $0x8000004A;
	s8 =	sadd.s32 $0x4C00, s8;
	s4 =	smul.u32 $0x4E20, s6  }
0x8: {  	s5 =	simm.s32 $0x1;
	p0 =	slt.u32 s6, $0x9;
	s6 =	simm.s32 $0x9C400  }
.Ltmp0:
0x9: {  	s6 =	simm.s32 @!p0 $0x0;
	s7 =	ssub.s32 $0xC3500, s4;
	(pc) =	sbr.rel .LBB2_1-.Ltmp0, $4  }
0xa: {  	s9 =	simm.s32 @!p0 $0x0;
	p0 =	sne.s32 s7, s6;
	s7 =	simm.s32 $0x1  }
0xb: {  	[sflag:s5] =	ssyncpa.u1 $0x0;
	s6 =	simm.s32 $0x2;
	s7 =	simm.s32 @!p0 $0x0  }
0xc: {  	s11 =	smov.u32 s4;
	[sflag:s6] =	ssyncpa.u1 $0x0;
	s7 =	sadd.s32 s9, s7  }
0xd: {  	vm0 =	vmmov $0xffff;
	[sflag:s10] =	ssyncpa.u1 $0x0;
	s10 =	simm.s32 $0x0;
	s9 =	sadd.s32 $0x1, s7  }
.LBB2_4:
0xe: {  	v2 =	vnsel vm1, $0x0, v2  }
0xf: {  	vm1 =	vgt.s32 v0, $0x0;
	v2 =	vmin.u32 v2, $0xC34FF  }
0x10: {  	v0 =	vnsel vm1, $0x0, v0  }
0x11: {  	v0 =	vmin.u32 v0, $0xC34FF  }
0x12: {  	[tilespmem:s18], [sflag:$0x1] =	stream.indirect_vreg.gather [hbm4b:s2+s10], $0x1, v1, vm0, $0x4038;
	[tilespmem:$0x13880] =	vst v63  }
0x13: {  	(ifvalue) =	ssetifvalue $0x7FFFFFFF  }
0x14: {  	[tilespmem:s15], [sflag:$0x1] =	stream.indirect_vreg.gather [hbm4b:s2+s10], $0x1, v2, vm0, $0x4038;
	[tilespmem:$0x13880] =	vst v63  }
0x15: {  	s29 =	sadd.s32 $0x10, s15;
	(ifvalue) =	ssetifvalue $0x7FFFFFFF  }
0x16: {  	[tilespmem:s29], [sflag:$0x1] =	stream.indirect_vreg.gather [hbm4b:s2+s10], $0x1, v0, vm0, $0x4038;
	[tilespmem:$0x13880] =	vst v63  }
0x17: {  	_ =	swait.ge [sflag:s5], $0x4E20  }
0x18: {  	s30 =	sshrl.u32 s13, $0x3;
	[sflag:s5] =	ssyncset.done $0x0  }
0x19: {  	s31 =	sand.u32 $0x7, s13;
	s15 =	sadd.s32 s8, s30;
	[sflag:s5] =	ssyncadd.s32 $0xFFFFB1E0  }
0x1a: {  	[hbm4b:s15+s31] =	stream.linear.scatter [tilespmem:s14], [sflag:$0x3], $0x4E20, $0x38;
	[tilespmem:$0x13880] =	vst v63  }
.LBB2_5:
0x1b: {  	s15 =	sadd.s32 $0x9C400, s11  }
0x1c: {  	p1 =	sgt.s32 s15, $0xC34FF  }
0x1d: {  	s15 =	smov.u32 @p1 s4;
	p1 =	sne.s32 s12, s9  }
.Ltmp1:
0x1e: {  	p0 =	slt.u32 s12, $0x2;
	(pc) =	sbr.rel @!p1 .LBB2_6-.Ltmp1, $4  }
0x1f: {  	s14 =	simm.s32 @!p0 $0x3  }
0x20: {  	_ =	swait.ge @!p0 [sflag:s14], $0x4E20  }
0x21: {  	s16 =	sadd.s32 $0x1, s12;
	s13 =	smov.u32 s11;
	[sflag:s14] =	ssyncset.done @!p0 $0x0  }
0x22: {  	s12 =	smov.u32 s16;
	s11 =	smov.u32 s15;
	[sflag:s14] =	ssyncadd.s32 @!p0 $0xFFFFB1E0  }
.LBB2_1:
0x23: {  	p0 =	sge.u32 s12, s7  }
0x24: {  	s14 =	sxor.u32 @!p0 $0x1, s12  }
0x25: {  	s14 =	smul.u32 @!p0 $0x13880, s14  }
0x26: {  	s31 =	sadd.s32 $0xFFFFFFFF, s12;
	s15 =	sshrl.u32 @!p0 s11, $0x3  }
0x27: {  	s16 =	sand.u32 @!p0 $0x7, s11;
	s15 =	sadd.s32 @!p0 s3, s15;
	s14 =	sshra.s32 @!p0 s14, $0x2  }
0x28: {  	[tilespmem:s14], [sflag:$0x2] =	stream.linear.gather @!p0 [hbm4b:s15+s16], $0x4E20, $0x38;
	[tilespmem:$0x13880] =	vst v63  }
0x29: {  	p0 =	sge.u32 s31, s7  }
.Ltmp2:
0x2a: {  	_ = 	snop;
	(pc) =	sbr.rel @p0 .LBB2_5-.Ltmp2, $1  }
0x2b: {  	_ =	sdelay $0x3  }
0x2c: {  	s14 =	sand.u32 $0x1, s12  }
0x2d: {  	_ =	swait.ge [sflag:s6], $0x4E20;
	p0 =	seq.s32 s14, $0x1;
	s14 =	simm.s32 $0x4E20  }
0x2e: {  	[sflag:s6] =	ssyncset.done $0x0;
	s14 =	simm.s32 @!p0 $0x0  }
0x2f: {  	[sflag:s6] =	ssyncadd.s32 $0xFFFFB1E0;
	(ifvalue) =	ssetifvalue $0x7FFFFFFF;
	v0 =	vld.msk [tilespmem:s14+$0x0 ss:$0x1], $0xffff;
	_ =	sdelay $0x4  }
0x30: {  	s15 =	sadd.s32 $0x10, s14;
	vm1 =	vgt.s32 v0, $0x0  }
0x31: {  	v2 =	vld.msk [tilespmem:s15+$0x0 ss:$0x1], $0xffff;
	v1 =	vnsel vm1, $0x0, v0  }
0x32: {  	v1 =	vmin.u32 v1, $0xC34FF;
	_ =	sdelay $0x2  }
0x33: {  	s17 =	simm.s32 $0x20;
	s14 =	sadd.s32 $0x9C40, s14;
	s16 =	sadd.s32 $0x10, s15  }
0x34: {  	s15 =	sadd.s32 $0x10, s14;
	s18 =	smov.u32 s14;
	v0 =	vld.msk [tilespmem:s16+$0x0 ss:$0x1], $0xffff;
	vm1 =	vgt.s32 v2, $0x0;
	(ifvalue) =	ssetifvalue $0x7FFFFFFF  }
.LBB2_3:
0x35: {  	[tilespmem:s18], [sflag:$0x1] =	stream.indirect_vreg.gather [hbm4b:s2+s10], $0x1, v1, vm0, $0x4038;
	[tilespmem:$0x13880] =	vst v63  }
0x36: {  	s17 =	sadd.s32 $0x10, s17  }
0x37: {  	v2 =	vnsel vm1, $0x0, v2;
	p0 =	slt.u32 s17, $0x4E10  }
.Ltmp3:
0x38: {  	s18 =	smov.u32 s15;
	v1 =	vmin.u32 v2, $0xC34FF;
	(pc) =	sbr.rel @p0 .LBB2_3-.Ltmp3, $3  }
0x39: {  	_ =	sdelay $0x1  }
0x3a: {  	s16 =	sadd.s32 $0x10, s16  }
0x3b: {  	vm1 =	vgt.s32 v0, $0x0;
	s15 =	sadd.s32 $0x10, s15;
	v2 =	vmov v0;
	(ifvalue) =	ssetifvalue $0x7FFFFFFF;
	v0 =	vld.msk [tilespmem:s16+$0x0 ss:$0x1], $0xffff  }
.Ltmp4:
0x3c: {  	_ = 	snop;
	(pc) =	sbr.rel .LBB2_4-.Ltmp4, $1  }
0x3d: {  	_ =	sdelay $0x3  }
.LBB2_6:
0x3e: {  	_ =	sfence.sel $0x180000  }
0x3f: {  	s2 =	simm.s32 $0x2;
	[bflag:$0x0] =	sbarrier.arrive $0xFFFF  }
0x40: {  	s30 =	simm.s32 $0x3;
	[sflag:s2] =	ssyncpa.u1 $0x1  }
0x41: {  	s31 =	simm.s32 $0x1;
	[sflag:s30] =	ssyncpa.u1 $0x1  }
0x42: {  	[sflag:s31] =	ssyncpa.u1 $0x1  }
0x43: {  	p0 =	sne.s32 s0, $0x0;
	_ =	strace $0x9000004A  }
0x44: {  	s0 =	sadd.s32 @!p0 $0x100000, s1;
	[bflag:$0x2] =	sbarrier.arrive $0xFFFF  }
0x45: {  	[sflag:s0] =	ssyncadd.tile.s32 @!p0 $0x1;
	_ =	shalt  }
.Lfunc_end2:
_tile_overlayer_lowered:
.L_overlay_start_2:
0x46: {  	(tag) =	ssettag $0x2  }
0x47: {  	s0 =	rddreg [dreg:$0x0];
	s2 =	stileid.u32  }
0x48: {  	s1 =	rddreg [dreg:$0x1];
	p0 =	sne.s32 s2, $0x0  }
0x49: {  	s3 =	rddreg [dreg:$0x2];
	[bflag:$0x3] =	sbarrier.arrive $0xFFFF;
	s2 =	simm.s32 @!p0 $0x1C01  }
0x4a: {  	[timem:s3], [sflag:s2] =	dma.local @!p0 [hbm:s0], s1  }
0x4b: {  	s0 =	simm.s32 @!p0 $0x1  }
0x4c: {  	_ =	swait.ge @!p0 [sflag:s0], s1  }
0x4d: {  	s1 =	ssub.s32 @!p0 $0x0, s1;
	[sflag:s0] =	ssyncset.done @!p0 $0x0  }
0x4e: {  	[sflag:s0] =	ssyncadd.s32 @!p0 s1  }
0x4f: {  	[bflag:$0x3] =	sbarrier.arrive $0xFFFF  }
0x50: {  	_ =	shalt  }

// kernel: gather_offload_async_start
scs
__scs_entry_jumppad:
0x0: {  	(pc) =	sbr.rel $0x88, $3  }
0x1: {  	(tag) =	ssettag $0x0;
	lr =	simm.s32 $0x1  }
0x2: {  	[smem:$0x3F96] =	sst lr;
	_ =	strace $0xD0000000  }
0x3: {  	_ = 	snop  }
0x4: {  	_ = 	snop  }
0x5: {  	_ = 	snop  }
0x6: {  	_ = 	snop  }
0x7: {  	_ = 	snop  }
__scs_overlays_trampoline_lowered:
0x8: {  	[smem:$0x3FA5] =	sst s0  }
0x9: {  	[smem:$0x3FA6] =	sst s1  }
0xa: {  	[smem:$0x3FA7] =	sst s2  }
0xb: {  	[smem:$0x3FA8] =	sst s3  }
0xc: {  	[smem:$0x3FA9] =	sst s4  }
0xd: {  	[smem:$0x3FAA] =	sst s5  }
0xe: {  	[smem:$0x3FAB] =	sst s6  }
0xf: {  	[smem:$0x3FAC] =	sst s7  }
0x10: {  	[smem:$0x3FAD] =	sst s8  }
0x11: {  	[smem:$0x3FAE] =	sst s9;
	s0 =	simm.s32 @!p0 $0x0  }
0x12: {  	s1 =	sld [smem:$0x3F94];
	s0 =	simm.s32 @p0 $0x1  }
0x13: {  	[smem:$0x3FAF] =	sst s0;
	s0 =	simm.s32 @!p1 $0x0  }
0x14: {  	s2 =	sld [smem:$0x3F93];
	s0 =	simm.s32 @p1 $0x1  }
0x15: {  	[smem:$0x3FB0] =	sst s0;
	s0 =	simm.s32 @!p2 $0x0  }
0x16: {  	s3 =	sld [smem:$0x3FDB];
	s0 =	simm.s32 @p2 $0x1  }
0x17: {  	s4 =	simm.s32 $0x1BF5;
	[smem:$0x3FB2] =	sst s0  }
0x18: {  	s0 =	sld [smem:$0x3F95];
	_ =	swait.ge [sflag:s4], $0x0  }
0x19: {  	s7 =	sld [smem:$0x3F96]  }
0x1a: {  	s8 =	sadd.s32 $0xFFFFE003, lr  }
0x1b: {  	s9 =	sadd.s32 $0xFFFFFEF7, lr;
	s5 =	simm.s32 $0xFFFFFFFF;
	p2 =	slt.u32 s8, $0xFFFFF086  }
0x1c: {  	p1 =	slt.u32 s9, $0xF7A;
	s5 =	simm.s32 @!p2 $0x0  }
0x1d: {  	s5 =	simm.s32 @p1 $0x1;
	p0 =	seq.s32 s7, s2  }
0x1e: {  	s7 =	smul.u32 @!p0 $0xF7A, s2;
	p2 =	seq.s32 @!p0 s5, $0x0  }
0x1f: {  	s9 =	smul.u32 $0xF7A, s1;
	s8 =	simm.s32 @!p0 $0x1BF5;
	p2 =	por !p2, p0  }
0x20: {  	[sflag:s8] =	ssyncset.s32 @!p0 $0xFFFFF086;
	s6 =	sadd.s32 @!p0 s3, s7;
	s7 =	simm.s32 @!p0 $0x108  }
0x21: {  	s3 =	sadd.s32 s3, s9;
	s6 =	sadd.s32 @!p0 $0x88, s6;
	s7 =	simm.s32 @p2 $0x1082  }
0x22: {  	[simem:s7], [sflag:s8] =	dma.local @!p0 [hbm:s6], $0xF7A  }
0x23: {  	s9 =	sor.u32 $0xD0000000, s2;
	s6 =	simm.s32 $0x108;
	_ =	swait.ge @!p0 [sflag:s8], $0x0  }
0x24: {  	s3 =	sadd.s32 $0x88, s3;
	s6 =	simm.s32 @!p1 $0x1082;
	[sflag:s4] =	ssyncset.s32 $0xFFFFF086  }
0x25: {  	[simem:s6], [sflag:s4] =	dma.local [hbm:s3], $0xF7A  }
0x26: {  	[smem:$0x3F96] =	sst s1;
	(tag) =	ssettag s2;
	_ =	strace s9  }
0x27: {  	s1 =	sld [smem:$0x3FA6]  }
0x28: {  	s2 =	sld [smem:$0x3FA7]  }
0x29: {  	s4 =	sld [smem:$0x3FA9]  }
0x2a: {  	p0 =	seq.s32 s5, $0x0;
	s5 =	sld [smem:$0x3FAA]  }
0x2b: {  	s6 =	sld [smem:$0x3FAB]  }
0x2c: {  	s7 =	sld [smem:$0x3FAC]  }
0x2d: {  	s3 =	simm.s32 $0x108;
	s8 =	sld [smem:$0x3FAD]  }
0x2e: {  	s3 =	simm.s32 @!p0 $0x1082;
	s9 =	sld [smem:$0x3FAE]  }
0x2f: {  	lr =	sadd.s32 s0, s3;
	s0 =	sld [smem:$0x3FA5]  }
0x30: {  	s3 =	sld [smem:$0x3FA8]  }
0x31: {  	[smem:$0x3FB1] =	sst s10  }
0x32: {  	s10 =	sld [smem:$0x3FAF];
	_ =	sdelay $0x3  }
0x33: {  	p0 =	seq.s32 s10, $0x1;
	s10 =	sld [smem:$0x3FB1];
	_ =	sdelay $0x3  }
0x34: {  	[smem:$0x3FB1] =	sst s10  }
0x35: {  	s10 =	sld [smem:$0x3FB0];
	_ =	sdelay $0x3  }
0x36: {  	p1 =	seq.s32 s10, $0x1;
	s10 =	sld [smem:$0x3FB1];
	_ =	sdelay $0x3  }
0x37: {  	[smem:$0x3FB1] =	sst s10  }
0x38: {  	s10 =	sld [smem:$0x3FB2]  }
0x39: {  	_ = 	snop;
	(pc) =	sbr.ind lr, $3  }
0x3a: {  	_ = 	snop  }
0x3b: {  	_ = 	snop  }
0x3c: {  	p2 =	seq.s32 s10, $0x1;
	s10 =	sld [smem:$0x3FB1]  }
0x3d: {  	_ =	shalt  }
0x3e: {  	_ =	shalt  }
0x3f: {  	_ =	shalt  }
0x40: {  	_ =	shalt  }
0x41: {  	_ =	shalt  }
0x42: {  	_ =	shalt  }
0x43: {  	_ =	shalt  }
0x44: {  	_ =	shalt  }
0x45: {  	_ =	shalt  }
0x46: {  	_ =	shalt  }
0x47: {  	_ =	shalt  }
0x48: {  	_ =	shalt  }
0x49: {  	_ =	shalt  }
0x4a: {  	_ =	shalt  }
0x4b: {  	_ =	shalt  }
0x4c: {  	_ =	shalt  }
0x4d: {  	_ =	shalt  }
0x4e: {  	_ =	shalt  }
0x4f: {  	_ =	shalt  }
0x50: {  	_ =	shalt  }
0x51: {  	_ =	shalt  }
0x52: {  	_ =	shalt  }
0x53: {  	_ =	shalt  }
0x54: {  	_ =	shalt  }
0x55: {  	_ =	shalt  }
0x56: {  	_ =	shalt  }
0x57: {  	_ =	shalt  }
0x58: {  	_ =	shalt  }
0x59: {  	_ =	shalt  }
0x5a: {  	_ =	shalt  }
0x5b: {  	_ =	shalt  }
0x5c: {  	_ =	shalt  }
0x5d: {  	_ =	shalt  }
0x5e: {  	_ =	shalt  }
0x5f: {  	_ =	shalt  }
0x60: {  	_ =	shalt  }
0x61: {  	_ =	shalt  }
0x62: {  	_ =	shalt  }
0x63: {  	_ =	shalt  }
0x64: {  	_ =	shalt  }
0x65: {  	_ =	shalt  }
0x66: {  	_ =	shalt  }
0x67: {  	_ =	shalt  }
0x68: {  	_ =	shalt  }
0x69: {  	_ =	shalt  }
0x6a: {  	_ =	shalt  }
0x6b: {  	_ =	shalt  }
0x6c: {  	_ =	shalt  }
0x6d: {  	_ =	shalt  }
0x6e: {  	_ =	shalt  }
0x6f: {  	_ =	shalt  }
0x70: {  	_ =	shalt  }
0x71: {  	_ =	shalt  }
0x72: {  	_ =	shalt  }
0x73: {  	_ =	shalt  }
0x74: {  	_ =	shalt  }
0x75: {  	_ =	shalt  }
0x76: {  	_ =	shalt  }
0x77: {  	_ =	shalt  }
0x78: {  	_ =	shalt  }
0x79: {  	_ =	shalt  }
0x7a: {  	_ =	shalt  }
0x7b: {  	_ =	shalt  }
0x7c: {  	_ =	shalt  }
0x7d: {  	_ =	shalt  }
0x7e: {  	_ =	shalt  }
0x7f: {  	_ =	shalt  }
0x80: {  	_ =	shalt  }
0x81: {  	_ =	shalt  }
0x82: {  	_ =	shalt  }
0x83: {  	_ =	shalt  }
0x84: {  	_ =	shalt  }
0x85: {  	_ =	shalt  }
0x86: {  	_ =	shalt  }
0x87: {  	_ =	shalt  }
.Lfunc_end0:
.L_simem_size_0:
called_computation_lowered:
.L_overlay_start_0:
0x88: {  	s2 =	sld [smem:$0x3FD9]  }
0x89: {  	s3 =	sld [smem:$0x3FFE];
	_ =	sdelay $0x1  }
0x8a: {  	s1 =	srdreg.scid  }
0x8b: {  	s0 =	sand.u32 $0x1, s1  }
0x8c: {  	s14 =	sshll.u32 s0, $0xA;
	s2 =	sadd.s32 s3, s2  }
0x8d: {  	s2 =	sadd.s32 s2, s14  }
0x8e: {  	[smem:$0x3FBD] =	sst s2  }
0x8f: {  	_ = 	snop  }
0x90: {  	s2 =	sld [smem:$0x3FD0];
	_ =	sdelay $0x2  }
0x91: {  	s15 =	simm.s32 $0xA;
	s4 =	simm.s32 $0x10  }
0x92: {  	[smem:s4], [sflag:s15] =	dma.local [hbm:s2], $0x1  }
0x93: {  	_ =	swait.eq [sflag:s15], $0x1  }
0x94: {  	[sflag:s15] =	ssyncset.done $0x0  }
0x95: {  	s16 =	sld [smem:$0x10];
	[sflag:s15] =	ssyncadd.s32 $0xFFFFFFFF  }
0x96: {  	s17 =	sld [smem:$0x11];
	(tm) =	ssettm $0x1  }
0x97: {  	s18 =	sld [smem:$0x3FFB];
	_ =	sdelay $0x3  }
0x98: {  	_ =	strace s18  }
0x99: {  	s4 =	sld [smem:$0x3FFC];
	_ =	sdelay $0x3  }
0x9a: {  	_ =	strace s4  }
0x9b: {  	s4 =	sld [smem:$0x3FFD];
	_ =	sdelay $0x3  }
0x9c: {  	_ =	strace s4  }
0x9d: {  	_ =	strace $0x8FFFFFFF  }
0x9e: {  	s19 =	sld [smem:$0x3FDB];
	_ =	sdelay $0x1  }
0x9f: {  	s5 =	simm.s32 $_scs_section_size  }
0xa0: {  	s6 =	simm.s32 $_size__tile_overlayer_lowered;
	s7 =	simm.s32 $_tile_overlayer_lowered  }
0xa1: {  	s22 =	simm.s32 $0x1BFF;
	s21 =	sshll.u32 s7, $0x1;
	s4 =	sadd.s32 s5, s19  }
0xa2: {  	s8 =	simm.s32 $0x0;
	s20 =	sshll.u32 s6, $0x1;
	s6 =	sadd.s32 s21, s4  }
0xa3: {  	[timem:s8], [sflag:s22] =	dma.local [hbm:s6], s20  }
0xa4: {  	_ =	swait.ge [sflag:s22], s20  }
0xa5: {  	s5 =	ssub.s32 $0x0, s20;
	[sflag:s22] =	ssyncset.done $0x0  }
0xa6: {  	[sflag:s22] =	ssyncadd.s32 s5;
	_ =	sdelay $0x1  }
0xa7: {  	s23 =	simm.s32 $0x1B8B  }
0xa8: {  	_ =	swait.ge [sflag:s23], $0x1  }
0xa9: {  	[sflag:s23] =	ssyncset.done $0x0  }
0xaa: {  	s25 =	simm.s32 $0x1B8E;
	s24 =	sld [smem:$0x3FFE];
	[sflag:s23] =	ssyncadd.s32 $0xFFFFFFFF  }
0xab: {  	s26 =	simm.s32 $execute0_lowered;
	[smem:$0x3FD2] =	sst s25  }
0xac: {  	s6 =	sshll.u32 s26, $0x1;
	_ =	strace $0x80000046;
	[dreg:$0x1] =	wrdreg $0xFFFFFFFF  }
0xad: {  	s28 =	simm.s32 $_size_execute0_lowered;
	s4 =	sadd.s32 s4, s6;
	[dreg:$0x0] =	wrdreg $0x0  }
0xae: {  	s6 =	sshll.u32 s28, $0x1;
	[dreg:$0x2] =	wrdreg s4  }
0xaf: {  	[dreg:$0x3] =	wrdreg s6  }
0xb0: {  	[dreg:$0x4] =	wrdreg $0xC0  }
0xb1: {  	_ =	task [dreg:s8], $0x5FFFF  }
0xb2: {  	[dreg:$0x1] =	wrdreg $0xFFFFFFFF  }
0xb3: {  	[dreg:$0x0] =	wrdreg $0x60  }
0xb4: {  	[dreg:$0x2] =	wrdreg s17  }
0xb5: {  	[dreg:$0x3] =	wrdreg s16  }
0xb6: {  	[dreg:$0x4] =	wrdreg s24  }
0xb7: {  	[dreg:$0x5] =	wrdreg $0x9  }
0xb8: {  	_ =	task.clear_ibuf [dreg:s8], $0x6FFFF;
	_ =	strace $0x90000046  }
0xb9: {  	s29 =	simm.s32 $0x9;
	_ =	strace $0x80000048  }
0xba: {  	_ =	swait.ge [sflag:s29], $0x1  }
0xbb: {  	[sflag:s29] =	ssyncadd.s32 $0xFFFFFFFF  }
0xbc: {  	_ =	strace $0x90000048  }
0xbd: {  	_ =	sfence  }
0xbe: {  	s30 =	sld [smem:$0x0];
	_ =	sdelay $0x2  }
0xbf: {  	s31 =	sshll.u32 s1, $0xD;
	s1 =	sshrl.u32 s1, $0x2  }
0xc0: {  	s3 =	sand.u32 $0x4000, s31;
	s1 =	sadd.s32 s1, s30  }
0xc1: {  	s0 =	sor.u32 s3, s0;
	s1 =	sshll.u32 s1, $0x11  }
0xc2: {  	s0 =	sor.u32 s1, s0  }
0xc3: {  	s0 =	sadd.s32 $0x8F2B, s0  }
0xc4: {  	[sflag:s0] =	ssyncadd.remote.s32 $0x1  }
0xc5: {  	_ =	sfence.sel $0xFFFF  }
0xc6: {  	[dreg:$0x0] =	wrdreg $0xFFFFFFFF;
	(pc) =	sbr.abs _section_cstart, $3  }
0xc7: {  	[dreg:$0x1] =	wrdreg $0xFFFFFFFF  }
0xc8: {  	_ =	task.clear_ibuf [dreg:s8], $0x2FFFF;
	_ =	strace $0x9FFFFFFF  }
0xc9: {  	(tm) =	ssettm $0x7FFFFFFF  }
tec
execute0_lowered:
.L_overlay_start_1:
0x0: {  	(tag) =	ssettag $0x1  }
0x1: {  	s2 =	rddreg [dreg:$0x0]  }
0x2: {  	s3 =	rddreg [dreg:$0x1]  }
0x3: {  	s0 =	stileid.u32;
	s1 =	srdreg.scid  }
0x4: {  	s8 =	rddreg [dreg:$0x2];
	s9 =	simm.s32 $0x1;
	s10 =	simm.s32 $0x3  }
0x5: {  	s13 =	simm.s32 $0x0;
	s4 =	sand.u32 $0x1, s1;
	s5 =	sshll.u32 s0, $0x1  }
0x6: {  	s12 =	simm.s32 $0x0;
	s1 =	rddreg [dreg:$0x3];
	s6 =	sor.u32 s5, s4  }
0x7: {  	_ =	strace $0x80000047;
	s8 =	sadd.s32 $0x4A00, s8;
	s4 =	smul.u32 $0x4E20, s6  }
0x8: {  	s5 =	simm.s32 $0x1;
	p0 =	slt.u32 s6, $0x9;
	s6 =	simm.s32 $0x9C400  }
.Ltmp0:
0x9: {  	s6 =	simm.s32 @!p0 $0x0;
	s7 =	ssub.s32 $0xC3500, s4;
	(pc) =	sbr.rel .LBB2_1-.Ltmp0, $4  }
0xa: {  	s9 =	simm.s32 @!p0 $0x0;
	p0 =	sne.s32 s7, s6;
	s7 =	simm.s32 $0x1  }
0xb: {  	[sflag:s5] =	ssyncpa.u1 $0x0;
	s6 =	simm.s32 $0x2;
	s7 =	simm.s32 @!p0 $0x0  }
0xc: {  	s11 =	smov.u32 s4;
	[sflag:s6] =	ssyncpa.u1 $0x0;
	s7 =	sadd.s32 s9, s7  }
0xd: {  	vm0 =	vmmov $0xffff;
	[sflag:s10] =	ssyncpa.u1 $0x0;
	s10 =	simm.s32 $0x0;
	s9 =	sadd.s32 $0x1, s7  }
.LBB2_4:
0xe: {  	v2 =	vnsel vm1, $0x0, v2  }
0xf: {  	vm1 =	vgt.s32 v0, $0x0;
	v2 =	vmin.u32 v2, $0xC34FF  }
0x10: {  	v0 =	vnsel vm1, $0x0, v0  }
0x11: {  	v0 =	vmin.u32 v0, $0xC34FF  }
0x12: {  	[tilespmem:s18], [sflag:$0x1] =	stream.indirect_vreg.gather [hbm4b:s2+s10], $0x1, v1, vm0, $0x4038;
	[tilespmem:$0x13880] =	vst v63  }
0x13: {  	(ifvalue) =	ssetifvalue $0x7FFFFFFF  }
0x14: {  	[tilespmem:s15], [sflag:$0x1] =	stream.indirect_vreg.gather [hbm4b:s2+s10], $0x1, v2, vm0, $0x4038;
	[tilespmem:$0x13880] =	vst v63  }
0x15: {  	s29 =	sadd.s32 $0x10, s15;
	(ifvalue) =	ssetifvalue $0x7FFFFFFF  }
0x16: {  	[tilespmem:s29], [sflag:$0x1] =	stream.indirect_vreg.gather [hbm4b:s2+s10], $0x1, v0, vm0, $0x4038;
	[tilespmem:$0x13880] =	vst v63  }
0x17: {  	_ =	swait.ge [sflag:s5], $0x4E20  }
0x18: {  	s30 =	sshrl.u32 s13, $0x3;
	[sflag:s5] =	ssyncset.done $0x0  }
0x19: {  	s31 =	sand.u32 $0x7, s13;
	s15 =	sadd.s32 s8, s30;
	[sflag:s5] =	ssyncadd.s32 $0xFFFFB1E0  }
0x1a: {  	[hbm4b:s15+s31] =	stream.linear.scatter [tilespmem:s14], [sflag:$0x3], $0x4E20, $0x38;
	[tilespmem:$0x13880] =	vst v63  }
.LBB2_5:
0x1b: {  	s15 =	sadd.s32 $0x9C400, s11  }
0x1c: {  	p1 =	sgt.s32 s15, $0xC34FF  }
0x1d: {  	s15 =	smov.u32 @p1 s4;
	p1 =	sne.s32 s12, s9  }
.Ltmp1:
0x1e: {  	p0 =	slt.u32 s12, $0x2;
	(pc) =	sbr.rel @!p1 .LBB2_6-.Ltmp1, $4  }
0x1f: {  	s14 =	simm.s32 @!p0 $0x3  }
0x20: {  	_ =	swait.ge @!p0 [sflag:s14], $0x4E20  }
0x21: {  	s16 =	sadd.s32 $0x1, s12;
	s13 =	smov.u32 s11;
	[sflag:s14] =	ssyncset.done @!p0 $0x0  }
0x22: {  	s12 =	smov.u32 s16;
	s11 =	smov.u32 s15;
	[sflag:s14] =	ssyncadd.s32 @!p0 $0xFFFFB1E0  }
.LBB2_1:
0x23: {  	p0 =	sge.u32 s12, s7  }
0x24: {  	s14 =	sxor.u32 @!p0 $0x1, s12  }
0x25: {  	s14 =	smul.u32 @!p0 $0x13880, s14  }
0x26: {  	s31 =	sadd.s32 $0xFFFFFFFF, s12;
	s15 =	sshrl.u32 @!p0 s11, $0x3  }
0x27: {  	s16 =	sand.u32 @!p0 $0x7, s11;
	s15 =	sadd.s32 @!p0 s3, s15;
	s14 =	sshra.s32 @!p0 s14, $0x2  }
0x28: {  	[tilespmem:s14], [sflag:$0x2] =	stream.linear.gather @!p0 [hbm4b:s15+s16], $0x4E20, $0x38;
	[tilespmem:$0x13880] =	vst v63  }
0x29: {  	p0 =	sge.u32 s31, s7  }
.Ltmp2:
0x2a: {  	_ = 	snop;
	(pc) =	sbr.rel @p0 .LBB2_5-.Ltmp2, $1  }
0x2b: {  	_ =	sdelay $0x3  }
0x2c: {  	s14 =	sand.u32 $0x1, s12  }
0x2d: {  	_ =	swait.ge [sflag:s6], $0x4E20;
	p0 =	seq.s32 s14, $0x1;
	s14 =	simm.s32 $0x4E20  }
0x2e: {  	[sflag:s6] =	ssyncset.done $0x0;
	s14 =	simm.s32 @!p0 $0x0  }
0x2f: {  	[sflag:s6] =	ssyncadd.s32 $0xFFFFB1E0;
	(ifvalue) =	ssetifvalue $0x7FFFFFFF;
	v0 =	vld.msk [tilespmem:s14+$0x0 ss:$0x1], $0xffff;
	_ =	sdelay $0x4  }
0x30: {  	s15 =	sadd.s32 $0x10, s14;
	vm1 =	vgt.s32 v0, $0x0  }
0x31: {  	v2 =	vld.msk [tilespmem:s15+$0x0 ss:$0x1], $0xffff;
	v1 =	vnsel vm1, $0x0, v0  }
0x32: {  	v1 =	vmin.u32 v1, $0xC34FF;
	_ =	sdelay $0x2  }
0x33: {  	s17 =	simm.s32 $0x20;
	s14 =	sadd.s32 $0x9C40, s14;
	s16 =	sadd.s32 $0x10, s15  }
0x34: {  	s15 =	sadd.s32 $0x10, s14;
	s18 =	smov.u32 s14;
	v0 =	vld.msk [tilespmem:s16+$0x0 ss:$0x1], $0xffff;
	vm1 =	vgt.s32 v2, $0x0;
	(ifvalue) =	ssetifvalue $0x7FFFFFFF  }
.LBB2_3:
0x35: {  	[tilespmem:s18], [sflag:$0x1] =	stream.indirect_vreg.gather [hbm4b:s2+s10], $0x1, v1, vm0, $0x4038;
	[tilespmem:$0x13880] =	vst v63  }
0x36: {  	s17 =	sadd.s32 $0x10, s17  }
0x37: {  	v2 =	vnsel vm1, $0x0, v2;
	p0 =	slt.u32 s17, $0x4E10  }
.Ltmp3:
0x38: {  	s18 =	smov.u32 s15;
	v1 =	vmin.u32 v2, $0xC34FF;
	(pc) =	sbr.rel @p0 .LBB2_3-.Ltmp3, $3  }
0x39: {  	_ =	sdelay $0x1  }
0x3a: {  	s16 =	sadd.s32 $0x10, s16  }
0x3b: {  	vm1 =	vgt.s32 v0, $0x0;
	s15 =	sadd.s32 $0x10, s15;
	v2 =	vmov v0;
	(ifvalue) =	ssetifvalue $0x7FFFFFFF;
	v0 =	vld.msk [tilespmem:s16+$0x0 ss:$0x1], $0xffff  }
.Ltmp4:
0x3c: {  	_ = 	snop;
	(pc) =	sbr.rel .LBB2_4-.Ltmp4, $1  }
0x3d: {  	_ =	sdelay $0x3  }
.LBB2_6:
0x3e: {  	_ =	sfence.sel $0x180000  }
0x3f: {  	s2 =	simm.s32 $0x2;
	[bflag:$0x0] =	sbarrier.arrive $0xFFFF  }
0x40: {  	s30 =	simm.s32 $0x3;
	[sflag:s2] =	ssyncpa.u1 $0x1  }
0x41: {  	s31 =	simm.s32 $0x1;
	[sflag:s30] =	ssyncpa.u1 $0x1  }
0x42: {  	[sflag:s31] =	ssyncpa.u1 $0x1  }
0x43: {  	p0 =	sne.s32 s0, $0x0;
	_ =	strace $0x90000047  }
0x44: {  	s0 =	sadd.s32 @!p0 $0x100000, s1;
	[bflag:$0x2] =	sbarrier.arrive $0xFFFF  }
0x45: {  	[sflag:s0] =	ssyncadd.tile.s32 @!p0 $0x1;
	_ =	shalt  }
.Lfunc_end2:
_tile_overlayer_lowered:
.L_overlay_start_2:
0x46: {  	(tag) =	ssettag $0x2  }
0x47: {  	s0 =	rddreg [dreg:$0x0];
	s2 =	stileid.u32  }
0x48: {  	s1 =	rddreg [dreg:$0x1];
	p0 =	sne.s32 s2, $0x0  }
0x49: {  	s3 =	rddreg [dreg:$0x2];
	[bflag:$0x3] =	sbarrier.arrive $0xFFFF;
	s2 =	simm.s32 @!p0 $0x1C01  }
0x4a: {  	[timem:s3], [sflag:s2] =	dma.local @!p0 [hbm:s0], s1  }
0x4b: {  	s0 =	simm.s32 @!p0 $0x1  }
0x4c: {  	_ =	swait.ge @!p0 [sflag:s0], s1  }
0x4d: {  	s1 =	ssub.s32 @!p0 $0x0, s1;
	[sflag:s0] =	ssyncset.done @!p0 $0x0  }
0x4e: {  	[sflag:s0] =	ssyncadd.s32 @!p0 s1  }
0x4f: {  	[bflag:$0x3] =	sbarrier.arrive $0xFFFF  }
0x50: {  	_ =	shalt  }

</sc_bundles>
